<compile_context>
chip_gen: v7x
topology: tpu7x:2x2x1
jax: 0.10.2.dev20260603
libtpu: 0.0.44.dev20260713+nightly
codegen_flags: <defaults>
</compile_context>

<pallas_src>
import functools

import jax
import jax.numpy as jnp
from jax import lax
from jax.experimental import pallas as pl
from jax.experimental.pallas import tpu as pltpu
from jax.experimental.pallas import tpu_sc as plsc

_EPS = 0.0001
_B, _C, _H, _W = 32, 8, 256, 256
_HW = _H * _W
_M, _N = 500, 1000
_CT_FLAT = _M * _C
_CN_FLAT = _N * _C
_NC = 2


def _sin_poly(x):
    x2 = x * x
    p = 1.0 / 362880.0
    p = p * x2 - 1.0 / 5040.0
    p = p * x2 + 1.0 / 120.0
    p = p * x2 - 1.0 / 6.0
    p = p * x2 + 1.0
    return x * p


@functools.partial(
    pl.kernel,
    out_type=jax.ShapeDtypeStruct((_B * 5 * 16,), jnp.float32),
    mesh=plsc.VectorSubcoreMesh(core_axis_name="c", subcore_axis_name="s"),
    compiler_params=pltpu.CompilerParams(needs_layout_passes=False),
    scratch_types=[
        pltpu.VMEM((_M,), jnp.int32),
        pltpu.VMEM((_M,), jnp.int32),
        pltpu.VMEM((_C, _M), jnp.float32),
        pltpu.VMEM((_N,), jnp.int32),
        pltpu.VMEM((_N,), jnp.int32),
        pltpu.VMEM((_C, _N), jnp.float32),
        pltpu.VMEM((4 * _M,), jnp.int32),
        pltpu.VMEM((_CT_FLAT,), jnp.int32),
        pltpu.VMEM((_CN_FLAT,), jnp.int32),
        pltpu.VMEM((_CT_FLAT,), jnp.float32),
        pltpu.VMEM((_CN_FLAT,), jnp.float32),
        pltpu.VMEM((5 * 16,), jnp.float32),
        pltpu.SemaphoreType.DMA,
        pltpu.SemaphoreType.DMA,
        pltpu.SemaphoreType.DMA,
        pltpu.SemaphoreType.DMA,
        pltpu.SemaphoreType.DMA,
    ],
)
def _vploss(ct2cn_f, ct_ind_h, ct_mask_h, gt1_h, cn2ct_f, cn_ind_h, cn_mask_h,
            gt2_h, cci_h, out_h,
            ct_ind_v, ct_mask_v, gt1_v, cn_ind_v, cn_mask_v, gt2_v, cci_v,
            idx1_v, idx2_v, pred1_v, pred2_v, out_v, sem1, sem2, sem3, sem4,
            sem5):
    b = lax.axis_index("s") * _NC + lax.axis_index("c")

    ind1_cp = pltpu.async_copy(ct_ind_h.at[b], ct_ind_v, sem3)
    ind2_cp = pltpu.async_copy(cn_ind_h.at[b], cn_ind_v, sem4)
    aux_cps = [
        pltpu.async_copy(ct_mask_h.at[b], ct_mask_v, sem5),
        pltpu.async_copy(cn_mask_h.at[b], cn_mask_v, sem5),
        pltpu.async_copy(gt1_h.at[b], gt1_v, sem5),
        pltpu.async_copy(gt2_h.at[b], gt2_v, sem5),
        pltpu.async_copy(cci_h.at[b], cci_v, sem5),
    ]

    lanes = lax.iota(jnp.int32, 16)

    base1 = b * (_C * _HW)

    def _phys(ind):
        hi3 = jnp.left_shift(jnp.right_shift(ind, 11), 11)
        w7 = jnp.left_shift(jnp.bitwise_and(jnp.right_shift(ind, 7), 1), 10)
        hs = jnp.left_shift(jnp.bitwise_and(jnp.right_shift(ind, 8), 7), 7)
        wl = jnp.bitwise_and(ind, 127)
        return hi3 + w7 + hs + wl

    def build_ct(i, _):
        for u in range(2):
            pos = (2 * i + u) * 16 + lanes
            m = jnp.right_shift(pos, 3)
            ind = plsc.load_gather(ct_ind_v, [m])
            ch = jnp.left_shift(jnp.bitwise_and(pos, 7), 16)
            idx1_v[pl.ds((2 * i + u) * 16, 16)] = base1 + ch + _phys(ind)
        return 0

    ind1_cp.wait()
    lax.fori_loop(0, _CT_FLAT // 32, build_ct, 0)
    cp1 = pltpu.async_copy(ct2cn_f.at[idx1_v], pred1_v, sem1)

    def build_cn(i, _):
        for u in range(2):
            pos = (2 * i + u) * 16 + lanes
            n = jnp.right_shift(pos, 3)
            ind = plsc.load_gather(cn_ind_v, [n])
            ch = jnp.left_shift(jnp.bitwise_and(pos, 7), 16)
            idx2_v[pl.ds((2 * i + u) * 16, 16)] = base1 + ch + _phys(ind)
        return 0

    ind2_cp.wait()
    lax.fori_loop(0, _CN_FLAT // 32, build_cn, 0)
    half = _CN_FLAT // 2
    cp2a = pltpu.async_copy(
        cn2ct_f.at[idx2_v.at[pl.ds(0, half)]], pred2_v.at[pl.ds(0, half)],
        sem2)
    cp2b = pltpu.async_copy(
        cn2ct_f.at[idx2_v.at[pl.ds(half, half)]],
        pred2_v.at[pl.ds(half, half)], sem4)

    for cp in aux_cps:
        cp.wait()
    cp2a.wait()

    zero = jnp.zeros((16,), jnp.float32)

    def cn_body(i, carry):
        s3, c3 = carry
        pos = i * 16 + lanes
        n = jnp.right_shift(pos, 3)
        c = jnp.bitwise_and(pos, 7)
        p2 = pred2_v[pl.ds(i * 16, 16)]
        g2 = plsc.load_gather(gt2_v, [c, n])
        mk = plsc.load_gather(cn_mask_v, [n])
        mf = mk.astype(jnp.float32)
        m3 = jnp.where(g2 == 0.0, mf, 1.0 - mf)
        return (s3 + jnp.abs(p2 - g2) * m3, c3 + m3)

    s3, c3 = lax.fori_loop(0, _CN_FLAT // 32, cn_body, (zero, zero))
    cp2b.wait()
    s3, c3 = lax.fori_loop(_CN_FLAT // 32, _CN_FLAT // 16, cn_body, (s3, c3))

    cp1.wait()

    def ct_body(i, carry):
        s1, s2, nct = carry
        for u in range(2):
            k = 2 * i + u
            pos = k * 16 + lanes
            m = jnp.right_shift(pos, 3)
            c = jnp.bitwise_and(pos, 7)
            p1 = pred1_v[pl.ds(k * 16, 16)]
            g1 = plsc.load_gather(gt1_v, [c, m])
            j = jnp.right_shift(pos, 1)
            cidx = plsc.load_gather(cci_v, [j])
            pofs = jnp.left_shift(cidx, 1) + jnp.bitwise_and(pos, 1)
            pg = plsc.load_gather(pred2_v, [pofs])
            gg = plsc.load_gather(
                gt2_v, [jnp.bitwise_and(pofs, 7), jnp.right_shift(pofs, 3)])
            mk = plsc.load_gather(ct_mask_v, [m])
            mf = mk.astype(jnp.float32)
            d1 = jnp.abs(p1 - g1)
            d2 = jnp.abs(pg - gg)
            delta = jnp.minimum((d1 + d2) / (jnp.abs(g1) + _EPS), 1.0)
            w = _sin_poly(1.570796 * delta)
            t = mf * w
            s1 = s1 + d1 * t
            s2 = s2 + d2 * t
            nct = nct + mf
        return (s1, s2, nct)

    s1, s2, nct = lax.fori_loop(0, _CT_FLAT // 32, ct_body, (zero, zero, zero))

    out_v[pl.ds(0, 16)] = s1
    out_v[pl.ds(16, 16)] = s2
    out_v[pl.ds(32, 16)] = nct
    out_v[pl.ds(48, 16)] = s3
    out_v[pl.ds(64, 16)] = c3
    pltpu.sync_copy(out_v, out_h.at[pl.ds(b * 80, 80)])


def kernel(ct2cn, ct_ind, ct_mask, ct2cn_gt, cn2ct, cn_ind, cn_mask, cn2ct_gt,
           ct_cn_ind):
    def _phys_view(x):
        x5 = x.reshape(_B * _C, _H // 8, 8, _W // 128, 128)
        return jnp.transpose(x5, (0, 1, 3, 2, 4)).reshape(_B * _C * _HW)

    parts = _vploss(
        _phys_view(ct2cn),
        ct_ind,
        ct_mask,
        jnp.transpose(ct2cn_gt, (0, 2, 1)),
        _phys_view(cn2ct),
        cn_ind,
        cn_mask,
        jnp.transpose(cn2ct_gt, (0, 2, 1)),
        ct_cn_ind,
    )
    s = jnp.sum(parts.reshape(_B, 5, 16), axis=(0, 2))
    num_ct = s[2] + _EPS
    return (s[0] / num_ct, 0.5 * s[1] / num_ct, 0.2 * s[3] / (s[4] + _EPS))

# --- scband reference (transcript-rebuilt; emitter-appended) ---
"""Pipeline reference for scband-vec-pair-loss-395136991502 (READ-ONLY COPY).

The authoritative reference and input builder live on the scoring server;
editing this copy changes nothing except your own understanding.
"""

import jax, jax.numpy as jnp
import numpy as np

EPS = 0.0001


def _transpose_and_gather_feat(feat, ind):
    B, C, H, W = feat.shape
    f = jnp.transpose(feat, (0, 2, 3, 1)).reshape(B, H * W, C)
    idx = jnp.broadcast_to(ind[:, :, None], (B, ind.shape[1], C))
    return jnp.take_along_axis(f, idx, axis=1)


def setup_inputs(seed: int = 0):
    key = jax.random.key(seed)
    ks = jax.random.split(key, 9)
    B, H, W, M, N = 32, 256, 256, 500, 1000
    return {
        "ct2cn": jax.random.normal(ks[0], (B, 8, H, W), dtype=jnp.float32),
        "ct_ind": jax.random.randint(ks[1], (B, M), 0, H * W, dtype=jnp.int32),
        "ct_mask": jax.random.randint(ks[2], (B, M), 0, 2, dtype=jnp.int32),
        "ct2cn_gt": jax.random.normal(ks[3], (B, M, 8), dtype=jnp.float32),
        "cn2ct": jax.random.normal(ks[4], (B, 8, H, W), dtype=jnp.float32),
        "cn_ind": jax.random.randint(ks[5], (B, N), 0, H * W, dtype=jnp.int32),
        "cn_mask": jax.random.randint(ks[6], (B, N), 0, 2, dtype=jnp.int32),
        "cn2ct_gt": jax.random.normal(ks[7], (B, N, 8), dtype=jnp.float32),
        "ct_cn_ind": jax.random.randint(ks[8], (B, 4 * M), 0, 4 * N, dtype=jnp.int32),
    }


def reference(ct2cn, ct_ind, ct_mask, ct2cn_gt, cn2ct, cn_ind, cn_mask, cn2ct_gt, ct_cn_ind):
    ct2cn_pred = _transpose_and_gather_feat(ct2cn, ct_ind)
    cn2ct_pred = _transpose_and_gather_feat(cn2ct, cn_ind)
    cn2ct_pred_temp = cn2ct_pred
    cn2ct_gt_temp = cn2ct_gt
    B, M, N = ct2cn_pred.shape[0], ct2cn_pred.shape[1], cn2ct_pred.shape[1]
    idx = jnp.broadcast_to(ct_cn_ind[:, :, None], (B, 4 * M, 2))
    cn2ct_pred_g = jnp.take_along_axis(cn2ct_pred.reshape(B, 4 * N, 2), idx, axis=1).reshape(B, M, 8)
    cn2ct_gt_g = jnp.take_along_axis(cn2ct_gt.reshape(B, 4 * N, 2), idx, axis=1).reshape(B, M, 8)
    ct_mask_f = jnp.broadcast_to(ct_mask[:, :, None], ct2cn_pred.shape).astype(jnp.float32)
    num_ct = ct_mask_f.sum() + EPS
    cn_mask_e = jnp.broadcast_to(cn_mask[:, :, None], cn2ct_pred_temp.shape)
    delta = (jnp.abs(ct2cn_pred - ct2cn_gt) + jnp.abs(cn2ct_pred_g - cn2ct_gt_g)) / (jnp.abs(ct2cn_gt) + EPS)
    delta = jnp.minimum(delta, 1.0)
    weight = jnp.sin(1.570796 * delta)
    ct2cn_loss = jnp.sum(jnp.abs(ct2cn_pred * ct_mask_f * weight - ct2cn_gt * ct_mask_f * weight)) / num_ct
    cn2ct_loss = jnp.sum(jnp.abs(cn2ct_pred_g * ct_mask_f * weight - cn2ct_gt_g * ct_mask_f * weight)) / num_ct
    invalid_vec_mask = (cn2ct_gt_temp == 0)
    invalid_vec_cn_mask = (invalid_vec_mask.astype(jnp.int32) == cn_mask_e).astype(jnp.float32)
    invalid_vec_cn_loss = jnp.sum(jnp.abs(cn2ct_pred_temp * invalid_vec_cn_mask - cn2ct_gt_temp * invalid_vec_cn_mask)) / (invalid_vec_cn_mask.sum() + EPS)
    return (ct2cn_loss, 0.5 * cn2ct_loss, 0.2 * invalid_vec_cn_loss)

if __name__ == "__main__":
    import jax
    _d = setup_inputs()
    print(jax.jit(kernel)(*tuple(_d.values())))

</pallas_src>

<mosaic_0001>
#map = affine_map<(d0, d1) -> (0)>
#map1 = affine_map<(d0, d1) -> (0, 0)>
#map2 = affine_map<(d0, d1) -> (0, 0, 0)>
module attributes {stable_mosaic.version = 14 : i64} {
  func.func @_vploss(%arg0: i32, %arg1: i32, %arg2: memref<16777216xf32, #tpu.memory_space<hbm>>, %arg3: memref<32x500xi32, #tpu.memory_space<hbm>>, %arg4: memref<32x500xi32, #tpu.memory_space<hbm>>, %arg5: memref<32x8x500xf32, #tpu.memory_space<hbm>>, %arg6: memref<16777216xf32, #tpu.memory_space<hbm>>, %arg7: memref<32x1000xi32, #tpu.memory_space<hbm>>, %arg8: memref<32x1000xi32, #tpu.memory_space<hbm>>, %arg9: memref<32x8x1000xf32, #tpu.memory_space<hbm>>, %arg10: memref<32x2000xi32, #tpu.memory_space<hbm>>, %arg11: memref<2560xf32, #tpu.memory_space<hbm>>, %arg12: memref<500xi32, #tpu.memory_space<vmem>>, %arg13: memref<500xi32, #tpu.memory_space<vmem>>, %arg14: memref<8x500xf32, #tpu.memory_space<vmem>>, %arg15: memref<1000xi32, #tpu.memory_space<vmem>>, %arg16: memref<1000xi32, #tpu.memory_space<vmem>>, %arg17: memref<8x1000xf32, #tpu.memory_space<vmem>>, %arg18: memref<2000xi32, #tpu.memory_space<vmem>>, %arg19: memref<4000xi32, #tpu.memory_space<vmem>>, %arg20: memref<8000xi32, #tpu.memory_space<vmem>>, %arg21: memref<4000xf32, #tpu.memory_space<vmem>>, %arg22: memref<8000xf32, #tpu.memory_space<vmem>>, %arg23: memref<80xf32, #tpu.memory_space<vmem>>, %arg24: memref<!tpu.dma_semaphore, #tpu.memory_space<semaphore_mem>>, %arg25: memref<!tpu.dma_semaphore, #tpu.memory_space<semaphore_mem>>, %arg26: memref<!tpu.dma_semaphore, #tpu.memory_space<semaphore_mem>>, %arg27: memref<!tpu.dma_semaphore, #tpu.memory_space<semaphore_mem>>, %arg28: memref<!tpu.dma_semaphore, #tpu.memory_space<semaphore_mem>>) attributes {dimension_semantics = [#tpu.dimension_semantics<core_parallel>, #tpu.dimension_semantics<subcore_parallel>], iteration_bounds = array<i64: 2, 16>, scalar_prefetch = 0 : i64, scratch_operands = 17 : i64, tpu.core_type = #tpu.core_type<sc_vector_subcore>, window_params = [{transform_indices = #map}, {transform_indices = #map1}, {transform_indices = #map1}, {transform_indices = #map2}, {transform_indices = #map}, {transform_indices = #map1}, {transform_indices = #map1}, {transform_indices = #map2}, {transform_indices = #map1}, {transform_indices = #map}]} {
    %mul3A = arith.constant 2 : i32
    %mul3A_0 = arith.muli %arg1, %mul3A : i32
    %add3A = arith.addi %mul3A_0, %arg0 : i32
    %dma_start3A = arith.constant 0 : i32
    %dma_start3A_1 = tpu.memref_slice %arg3[%add3A, %dma_start3A] : memref<32x500xi32, #tpu.memory_space<hbm>> -> memref<1x500xi32, #tpu.memory_space<hbm>>
    %dma_start3A_2 = tpu.memref_squeeze %dma_start3A_1 : memref<1x500xi32, #tpu.memory_space<hbm>> -> memref<500xi32, #tpu.memory_space<hbm>>
    %dma_start3A_3 = arith.constant 0 : i32
    %dma_start3A_4 = tpu.memref_slice %arg3[%add3A, %dma_start3A_3] : memref<32x500xi32, #tpu.memory_space<hbm>> -> memref<1x500xi32, #tpu.memory_space<hbm>>
    %dma_start3A_5 = tpu.memref_squeeze %dma_start3A_4 : memref<1x500xi32, #tpu.memory_space<hbm>> -> memref<500xi32, #tpu.memory_space<hbm>>
    tpu.enqueue_dma source(%dma_start3A_5 : memref<500xi32, #tpu.memory_space<hbm>>) target(%arg12 : memref<500xi32, #tpu.memory_space<vmem>>) target_semaphore(%arg26 : memref<!tpu.dma_semaphore, #tpu.memory_space<semaphore_mem>>)
    %dma_start3A_6 = arith.constant 0 : i32
    %dma_start3A_7 = tpu.memref_slice %arg7[%add3A, %dma_start3A_6] : memref<32x1000xi32, #tpu.memory_space<hbm>> -> memref<1x1000xi32, #tpu.memory_space<hbm>>
    %dma_start3A_8 = tpu.memref_squeeze %dma_start3A_7 : memref<1x1000xi32, #tpu.memory_space<hbm>> -> memref<1000xi32, #tpu.memory_space<hbm>>
    %dma_start3A_9 = arith.constant 0 : i32
    %dma_start3A_10 = tpu.memref_slice %arg7[%add3A, %dma_start3A_9] : memref<32x1000xi32, #tpu.memory_space<hbm>> -> memref<1x1000xi32, #tpu.memory_space<hbm>>
    %dma_start3A_11 = tpu.memref_squeeze %dma_start3A_10 : memref<1x1000xi32, #tpu.memory_space<hbm>> -> memref<1000xi32, #tpu.memory_space<hbm>>
    tpu.enqueue_dma source(%dma_start3A_11 : memref<1000xi32, #tpu.memory_space<hbm>>) target(%arg15 : memref<1000xi32, #tpu.memory_space<vmem>>) target_semaphore(%arg27 : memref<!tpu.dma_semaphore, #tpu.memory_space<semaphore_mem>>)
    %dma_start3A_12 = arith.constant 0 : i32
    %dma_start3A_13 = tpu.memref_slice %arg4[%add3A, %dma_start3A_12] : memref<32x500xi32, #tpu.memory_space<hbm>> -> memref<1x500xi32, #tpu.memory_space<hbm>>
    %dma_start3A_14 = tpu.memref_squeeze %dma_start3A_13 : memref<1x500xi32, #tpu.memory_space<hbm>> -> memref<500xi32, #tpu.memory_space<hbm>>
    %dma_start3A_15 = arith.constant 0 : i32
    %dma_start3A_16 = tpu.memref_slice %arg4[%add3A, %dma_start3A_15] : memref<32x500xi32, #tpu.memory_space<hbm>> -> memref<1x500xi32, #tpu.memory_space<hbm>>
    %dma_start3A_17 = tpu.memref_squeeze %dma_start3A_16 : memref<1x500xi32, #tpu.memory_space<hbm>> -> memref<500xi32, #tpu.memory_space<hbm>>
    tpu.enqueue_dma source(%dma_start3A_17 : memref<500xi32, #tpu.memory_space<hbm>>) target(%arg13 : memref<500xi32, #tpu.memory_space<vmem>>) target_semaphore(%arg28 : memref<!tpu.dma_semaphore, #tpu.memory_space<semaphore_mem>>)
    %dma_start3A_18 = arith.constant 0 : i32
    %dma_start3A_19 = tpu.memref_slice %arg8[%add3A, %dma_start3A_18] : memref<32x1000xi32, #tpu.memory_space<hbm>> -> memref<1x1000xi32, #tpu.memory_space<hbm>>
    %dma_start3A_20 = tpu.memref_squeeze %dma_start3A_19 : memref<1x1000xi32, #tpu.memory_space<hbm>> -> memref<1000xi32, #tpu.memory_space<hbm>>
    %dma_start3A_21 = arith.constant 0 : i32
    %dma_start3A_22 = tpu.memref_slice %arg8[%add3A, %dma_start3A_21] : memref<32x1000xi32, #tpu.memory_space<hbm>> -> memref<1x1000xi32, #tpu.memory_space<hbm>>
    %dma_start3A_23 = tpu.memref_squeeze %dma_start3A_22 : memref<1x1000xi32, #tpu.memory_space<hbm>> -> memref<1000xi32, #tpu.memory_space<hbm>>
    tpu.enqueue_dma source(%dma_start3A_23 : memref<1000xi32, #tpu.memory_space<hbm>>) target(%arg16 : memref<1000xi32, #tpu.memory_space<vmem>>) target_semaphore(%arg28 : memref<!tpu.dma_semaphore, #tpu.memory_space<semaphore_mem>>)
    %dma_start3A_24 = arith.constant 0 : i32
    %dma_start3A_25 = arith.constant 0 : i32
    %dma_start3A_26 = tpu.memref_slice %arg5[%add3A, %dma_start3A_24, %dma_start3A_25] : memref<32x8x500xf32, #tpu.memory_space<hbm>> -> memref<1x8x500xf32, #tpu.memory_space<hbm>>
    %dma_start3A_27 = tpu.memref_squeeze %dma_start3A_26 : memref<1x8x500xf32, #tpu.memory_space<hbm>> -> memref<8x500xf32, #tpu.memory_space<hbm>>
    %dma_start3A_28 = arith.constant 0 : i32
    %dma_start3A_29 = arith.constant 0 : i32
    %dma_start3A_30 = tpu.memref_slice %arg5[%add3A, %dma_start3A_28, %dma_start3A_29] : memref<32x8x500xf32, #tpu.memory_space<hbm>> -> memref<1x8x500xf32, #tpu.memory_space<hbm>>
    %dma_start3A_31 = tpu.memref_squeeze %dma_start3A_30 : memref<1x8x500xf32, #tpu.memory_space<hbm>> -> memref<8x500xf32, #tpu.memory_space<hbm>>
    tpu.enqueue_dma source(%dma_start3A_31 : memref<8x500xf32, #tpu.memory_space<hbm>>) target(%arg14 : memref<8x500xf32, #tpu.memory_space<vmem>>) target_semaphore(%arg28 : memref<!tpu.dma_semaphore, #tpu.memory_space<semaphore_mem>>)
    %dma_start3A_32 = arith.constant 0 : i32
    %dma_start3A_33 = arith.constant 0 : i32
    %dma_start3A_34 = tpu.memref_slice %arg9[%add3A, %dma_start3A_32, %dma_start3A_33] : memref<32x8x1000xf32, #tpu.memory_space<hbm>> -> memref<1x8x1000xf32, #tpu.memory_space<hbm>>
    %dma_start3A_35 = tpu.memref_squeeze %dma_start3A_34 : memref<1x8x1000xf32, #tpu.memory_space<hbm>> -> memref<8x1000xf32, #tpu.memory_space<hbm>>
    %dma_start3A_36 = arith.constant 0 : i32
    %dma_start3A_37 = arith.constant 0 : i32
    %dma_start3A_38 = tpu.memref_slice %arg9[%add3A, %dma_start3A_36, %dma_start3A_37] : memref<32x8x1000xf32, #tpu.memory_space<hbm>> -> memref<1x8x1000xf32, #tpu.memory_space<hbm>>
    %dma_start3A_39 = tpu.memref_squeeze %dma_start3A_38 : memref<1x8x1000xf32, #tpu.memory_space<hbm>> -> memref<8x1000xf32, #tpu.memory_space<hbm>>
    tpu.enqueue_dma source(%dma_start3A_39 : memref<8x1000xf32, #tpu.memory_space<hbm>>) target(%arg17 : memref<8x1000xf32, #tpu.memory_space<vmem>>) target_semaphore(%arg28 : memref<!tpu.dma_semaphore, #tpu.memory_space<semaphore_mem>>)
    %dma_start3A_40 = arith.constant 0 : i32
    %dma_start3A_41 = tpu.memref_slice %arg10[%add3A, %dma_start3A_40] : memref<32x2000xi32, #tpu.memory_space<hbm>> -> memref<1x2000xi32, #tpu.memory_space<hbm>>
    %dma_start3A_42 = tpu.memref_squeeze %dma_start3A_41 : memref<1x2000xi32, #tpu.memory_space<hbm>> -> memref<2000xi32, #tpu.memory_space<hbm>>
    %dma_start3A_43 = arith.constant 0 : i32
    %dma_start3A_44 = tpu.memref_slice %arg10[%add3A, %dma_start3A_43] : memref<32x2000xi32, #tpu.memory_space<hbm>> -> memref<1x2000xi32, #tpu.memory_space<hbm>>
    %dma_start3A_45 = tpu.memref_squeeze %dma_start3A_44 : memref<1x2000xi32, #tpu.memory_space<hbm>> -> memref<2000xi32, #tpu.memory_space<hbm>>
    tpu.enqueue_dma source(%dma_start3A_45 : memref<2000xi32, #tpu.memory_space<hbm>>) target(%arg18 : memref<2000xi32, #tpu.memory_space<vmem>>) target_semaphore(%arg28 : memref<!tpu.dma_semaphore, #tpu.memory_space<semaphore_mem>>)
    %iota3A = tpu.iota {dimensions = array<i32: 0>} : vector<16xi32>
    %mul3A_46 = arith.constant 524288 : i32
    %mul3A_47 = arith.muli %add3A, %mul3A_46 : i32
    %dma_wait3A = arith.constant 0 : i32
    %dma_wait3A_48 = tpu.memref_slice %arg3[%add3A, %dma_wait3A] : memref<32x500xi32, #tpu.memory_space<hbm>> -> memref<1x500xi32, #tpu.memory_space<hbm>>
    %dma_wait3A_49 = tpu.memref_squeeze %dma_wait3A_48 : memref<1x500xi32, #tpu.memory_space<hbm>> -> memref<500xi32, #tpu.memory_space<hbm>>
    %dma_wait3A_50 = arith.constant 0 : i32
    %dma_wait3A_51 = tpu.memref_slice %arg3[%add3A, %dma_wait3A_50] : memref<32x500xi32, #tpu.memory_space<hbm>> -> memref<1x500xi32, #tpu.memory_space<hbm>>
    %dma_wait3A_52 = tpu.memref_squeeze %dma_wait3A_51 : memref<1x500xi32, #tpu.memory_space<hbm>> -> memref<500xi32, #tpu.memory_space<hbm>>
    tpu.wait_dma2 semaphore(%arg26 : memref<!tpu.dma_semaphore, #tpu.memory_space<semaphore_mem>>) src(%dma_wait3A_52 : memref<500xi32, #tpu.memory_space<hbm>>) dst(%arg12 : memref<500xi32, #tpu.memory_space<vmem>>)
    %scan3A = arith.constant 0 : i32
    %scan3A_53 = arith.constant 0 : i32
    %scan3A_54 = arith.constant 125 : i32
    %scan3A_55 = arith.addi %scan3A_53, %scan3A_54 : i32
    %scan3A_56 = arith.constant 1 : i32
    %scan3A_57 = scf.for %scan3A_164 = %scan3A_53 to %scan3A_55 step %scan3A_56 iter_args(%scan3A_165 = %scan3A) -> (i32)  : i32 {
      %mul3A_166 = arith.constant 2 : i32
      %mul3A_167 = arith.muli %mul3A_166, %scan3A_164 : i32
      %add3A_168 = arith.constant 0 : i32
      %add3A_169 = arith.addi %mul3A_167, %add3A_168 : i32
      %mul3A_170 = arith.constant 16 : i32
      %mul3A_171 = arith.muli %add3A_169, %mul3A_170 : i32
      %add3A_172 = vector.broadcast %mul3A_171 : i32 to vector<16xi32>
      %add3A_173 = arith.addi %add3A_172, %iota3A : vector<16xi32>
      %shift_right_arithmetic3A = arith.constant 3 : i32
      %shift_right_arithmetic3A_174 = vector.broadcast %shift_right_arithmetic3A : i32 to vector<16xi32>
      %shift_right_arithmetic3A_175 = arith.shrsi %add3A_173, %shift_right_arithmetic3A_174 : vector<16xi32>
      %gather3A = tpu.vector_load_idx %arg12[%shift_right_arithmetic3A_175] : memref<500xi32, #tpu.memory_space<vmem>>[vector<16xi32>], vector<16xi32>,
      %and3A = arith.constant 7 : i32
      %and3A_176 = vector.broadcast %and3A : i32 to vector<16xi32>
      %and3A_177 = arith.andi %add3A_173, %and3A_176 : vector<16xi32>
      %shift_left3A = arith.constant 16 : i32
      %shift_left3A_178 = vector.broadcast %shift_left3A : i32 to vector<16xi32>
      %shift_left3A_179 = arith.shli %and3A_177, %shift_left3A_178 : vector<16xi32>
      %add3A_180 = vector.broadcast %mul3A_47 : i32 to vector<16xi32>
      %add3A_181 = arith.addi %add3A_180, %shift_left3A_179 : vector<16xi32>
      %shift_right_arithmetic3A_182 = arith.constant 11 : i32
      %shift_right_arithmetic3A_183 = vector.broadcast %shift_right_arithmetic3A_182 : i32 to vector<16xi32>
      %shift_right_arithmetic3A_184 = arith.shrsi %gather3A, %shift_right_arithmetic3A_183 : vector<16xi32>
      %shift_left3A_185 = arith.constant 11 : i32
      %shift_left3A_186 = vector.broadcast %shift_left3A_185 : i32 to vector<16xi32>
      %shift_left3A_187 = arith.shli %shift_right_arithmetic3A_184, %shift_left3A_186 : vector<16xi32>
      %shift_right_arithmetic3A_188 = arith.constant 7 : i32
      %shift_right_arithmetic3A_189 = vector.broadcast %shift_right_arithmetic3A_188 : i32 to vector<16xi32>
      %shift_right_arithmetic3A_190 = arith.shrsi %gather3A, %shift_right_arithmetic3A_189 : vector<16xi32>
      %and3A_191 = arith.constant 1 : i32
      %and3A_192 = vector.broadcast %and3A_191 : i32 to vector<16xi32>
      %and3A_193 = arith.andi %shift_right_arithmetic3A_190, %and3A_192 : vector<16xi32>
      %shift_left3A_194 = arith.constant 10 : i32
      %shift_left3A_195 = vector.broadcast %shift_left3A_194 : i32 to vector<16xi32>
      %shift_left3A_196 = arith.shli %and3A_193, %shift_left3A_195 : vector<16xi32>
      %shift_right_arithmetic3A_197 = arith.constant 8 : i32
      %shift_right_arithmetic3A_198 = vector.broadcast %shift_right_arithmetic3A_197 : i32 to vector<16xi32>
      %shift_right_arithmetic3A_199 = arith.shrsi %gather3A, %shift_right_arithmetic3A_198 : vector<16xi32>
      %and3A_200 = arith.constant 7 : i32
      %and3A_201 = vector.broadcast %and3A_200 : i32 to vector<16xi32>
      %and3A_202 = arith.andi %shift_right_arithmetic3A_199, %and3A_201 : vector<16xi32>
      %shift_left3A_203 = arith.constant 7 : i32
      %shift_left3A_204 = vector.broadcast %shift_left3A_203 : i32 to vector<16xi32>
      %shift_left3A_205 = arith.shli %and3A_202, %shift_left3A_204 : vector<16xi32>
      %and3A_206 = arith.constant 127 : i32
      %and3A_207 = vector.broadcast %and3A_206 : i32 to vector<16xi32>
      %and3A_208 = arith.andi %gather3A, %and3A_207 : vector<16xi32>
      %add3A_209 = arith.addi %shift_left3A_187, %shift_left3A_196 : vector<16xi32>
      %add3A_210 = arith.addi %add3A_209, %shift_left3A_205 : vector<16xi32>
      %add3A_211 = arith.addi %add3A_210, %and3A_208 : vector<16xi32>
      %add3A_212 = arith.addi %add3A_181, %add3A_211 : vector<16xi32>
      %mul3A_213 = arith.constant 2 : i32
      %mul3A_214 = arith.muli %mul3A_213, %scan3A_164 : i32
      %add3A_215 = arith.constant 0 : i32
      %add3A_216 = arith.addi %mul3A_214, %add3A_215 : i32
      %mul3A_217 = arith.constant 16 : i32
      %mul3A_218 = arith.muli %add3A_216, %mul3A_217 : i32
      %swap3A_219 = arith.index_cast %mul3A_218 : i32 to index
      %swap3A_220 = tpu.vector_load %arg19[%swap3A_219] {strides = array<i32>} : memref<4000xi32, #tpu.memory_space<vmem>>, vector<16xi32>,
      tpu.vector_store %arg19[%swap3A_219], %add3A_212 {strides = array<i32>} : memref<4000xi32, #tpu.memory_space<vmem>>, vector<16xi32>,
      %mul3A_221 = arith.constant 2 : i32
      %mul3A_222 = arith.muli %mul3A_221, %scan3A_164 : i32
      %add3A_223 = arith.constant 1 : i32
      %add3A_224 = arith.addi %mul3A_222, %add3A_223 : i32
      %mul3A_225 = arith.constant 16 : i32
      %mul3A_226 = arith.muli %add3A_224, %mul3A_225 : i32
      %add3A_227 = vector.broadcast %mul3A_226 : i32 to vector<16xi32>
      %add3A_228 = arith.addi %add3A_227, %iota3A : vector<16xi32>
      %shift_right_arithmetic3A_229 = arith.constant 3 : i32
      %shift_right_arithmetic3A_230 = vector.broadcast %shift_right_arithmetic3A_229 : i32 to vector<16xi32>
      %shift_right_arithmetic3A_231 = arith.shrsi %add3A_228, %shift_right_arithmetic3A_230 : vector<16xi32>
      %gather3A_232 = tpu.vector_load_idx %arg12[%shift_right_arithmetic3A_231] : memref<500xi32, #tpu.memory_space<vmem>>[vector<16xi32>], vector<16xi32>,
      %and3A_233 = arith.constant 7 : i32
      %and3A_234 = vector.broadcast %and3A_233 : i32 to vector<16xi32>
      %and3A_235 = arith.andi %add3A_228, %and3A_234 : vector<16xi32>
      %shift_left3A_236 = arith.constant 16 : i32
      %shift_left3A_237 = vector.broadcast %shift_left3A_236 : i32 to vector<16xi32>
      %shift_left3A_238 = arith.shli %and3A_235, %shift_left3A_237 : vector<16xi32>
      %add3A_239 = vector.broadcast %mul3A_47 : i32 to vector<16xi32>
      %add3A_240 = arith.addi %add3A_239, %shift_left3A_238 : vector<16xi32>
      %shift_right_arithmetic3A_241 = arith.constant 11 : i32
      %shift_right_arithmetic3A_242 = vector.broadcast %shift_right_arithmetic3A_241 : i32 to vector<16xi32>
      %shift_right_arithmetic3A_243 = arith.shrsi %gather3A_232, %shift_right_arithmetic3A_242 : vector<16xi32>
      %shift_left3A_244 = arith.constant 11 : i32
      %shift_left3A_245 = vector.broadcast %shift_left3A_244 : i32 to vector<16xi32>
      %shift_left3A_246 = arith.shli %shift_right_arithmetic3A_243, %shift_left3A_245 : vector<16xi32>
      %shift_right_arithmetic3A_247 = arith.constant 7 : i32
      %shift_right_arithmetic3A_248 = vector.broadcast %shift_right_arithmetic3A_247 : i32 to vector<16xi32>
      %shift_right_arithmetic3A_249 = arith.shrsi %gather3A_232, %shift_right_arithmetic3A_248 : vector<16xi32>
      %and3A_250 = arith.constant 1 : i32
      %and3A_251 = vector.broadcast %and3A_250 : i32 to vector<16xi32>
      %and3A_252 = arith.andi %shift_right_arithmetic3A_249, %and3A_251 : vector<16xi32>
      %shift_left3A_253 = arith.constant 10 : i32
      %shift_left3A_254 = vector.broadcast %shift_left3A_253 : i32 to vector<16xi32>
      %shift_left3A_255 = arith.shli %and3A_252, %shift_left3A_254 : vector<16xi32>
      %shift_right_arithmetic3A_256 = arith.constant 8 : i32
      %shift_right_arithmetic3A_257 = vector.broadcast %shift_right_arithmetic3A_256 : i32 to vector<16xi32>
      %shift_right_arithmetic3A_258 = arith.shrsi %gather3A_232, %shift_right_arithmetic3A_257 : vector<16xi32>
      %and3A_259 = arith.constant 7 : i32
      %and3A_260 = vector.broadcast %and3A_259 : i32 to vector<16xi32>
      %and3A_261 = arith.andi %shift_right_arithmetic3A_258, %and3A_260 : vector<16xi32>
      %shift_left3A_262 = arith.constant 7 : i32
      %shift_left3A_263 = vector.broadcast %shift_left3A_262 : i32 to vector<16xi32>
      %shift_left3A_264 = arith.shli %and3A_261, %shift_left3A_263 : vector<16xi32>
      %and3A_265 = arith.constant 127 : i32
      %and3A_266 = vector.broadcast %and3A_265 : i32 to vector<16xi32>
      %and3A_267 = arith.andi %gather3A_232, %and3A_266 : vector<16xi32>
      %add3A_268 = arith.addi %shift_left3A_246, %shift_left3A_255 : vector<16xi32>
      %add3A_269 = arith.addi %add3A_268, %shift_left3A_264 : vector<16xi32>
      %add3A_270 = arith.addi %add3A_269, %and3A_267 : vector<16xi32>
      %add3A_271 = arith.addi %add3A_240, %add3A_270 : vector<16xi32>
      %mul3A_272 = arith.constant 2 : i32
      %mul3A_273 = arith.muli %mul3A_272, %scan3A_164 : i32
      %add3A_274 = arith.constant 1 : i32
      %add3A_275 = arith.addi %mul3A_273, %add3A_274 : i32
      %mul3A_276 = arith.constant 16 : i32
      %mul3A_277 = arith.muli %add3A_275, %mul3A_276 : i32
      %swap3A_278 = arith.index_cast %mul3A_277 : i32 to index
      %swap3A_279 = tpu.vector_load %arg19[%swap3A_278] {strides = array<i32>} : memref<4000xi32, #tpu.memory_space<vmem>>, vector<16xi32>,
      tpu.vector_store %arg19[%swap3A_278], %add3A_271 {strides = array<i32>} : memref<4000xi32, #tpu.memory_space<vmem>>, vector<16xi32>,
      %scan3A_280 = arith.constant 0 : i32
      scf.yield %scan3A_280 : i32
    }
    %scan3A_58 = arith.constant 125 : i32
    %dma_start3A_59 = arith.constant 0 : i32
    %dma_start3A_60 = tpu.memref_slice %arg2[%dma_start3A_59] : memref<16777216xf32, #tpu.memory_space<hbm>> -> memref<16777216xf32, #tpu.memory_space<hbm>>
    tpu.enqueue_indirect_dma source(%dma_start3A_60 : memref<16777216xf32, #tpu.memory_space<hbm>>) target(%arg21 : memref<4000xf32, #tpu.memory_space<vmem>>) offsets(%arg19 : memref<4000xi32, #tpu.memory_space<vmem>>) semaphore(%arg24 : memref<!tpu.dma_semaphore, #tpu.memory_space<semaphore_mem>>)
    %dma_wait3A_61 = arith.constant 0 : i32
    %dma_wait3A_62 = tpu.memref_slice %arg7[%add3A, %dma_wait3A_61] : memref<32x1000xi32, #tpu.memory_space<hbm>> -> memref<1x1000xi32, #tpu.memory_space<hbm>>
    %dma_wait3A_63 = tpu.memref_squeeze %dma_wait3A_62 : memref<1x1000xi32, #tpu.memory_space<hbm>> -> memref<1000xi32, #tpu.memory_space<hbm>>
    %dma_wait3A_64 = arith.constant 0 : i32
    %dma_wait3A_65 = tpu.memref_slice %arg7[%add3A, %dma_wait3A_64] : memref<32x1000xi32, #tpu.memory_space<hbm>> -> memref<1x1000xi32, #tpu.memory_space<hbm>>
    %dma_wait3A_66 = tpu.memref_squeeze %dma_wait3A_65 : memref<1x1000xi32, #tpu.memory_space<hbm>> -> memref<1000xi32, #tpu.memory_space<hbm>>
    tpu.wait_dma2 semaphore(%arg27 : memref<!tpu.dma_semaphore, #tpu.memory_space<semaphore_mem>>) src(%dma_wait3A_66 : memref<1000xi32, #tpu.memory_space<hbm>>) dst(%arg15 : memref<1000xi32, #tpu.memory_space<vmem>>)
    %scan3A_67 = arith.constant 0 : i32
    %scan3A_68 = arith.constant 0 : i32
    %scan3A_69 = arith.constant 250 : i32
    %scan3A_70 = arith.addi %scan3A_68, %scan3A_69 : i32
    %scan3A_71 = arith.constant 1 : i32
    %scan3A_72 = scf.for %scan3A_164 = %scan3A_68 to %scan3A_70 step %scan3A_71 iter_args(%scan3A_165 = %scan3A_67) -> (i32)  : i32 {
      %mul3A_166 = arith.constant 2 : i32
      %mul3A_167 = arith.muli %mul3A_166, %scan3A_164 : i32
      %add3A_168 = arith.constant 0 : i32
      %add3A_169 = arith.addi %mul3A_167, %add3A_168 : i32
      %mul3A_170 = arith.constant 16 : i32
      %mul3A_171 = arith.muli %add3A_169, %mul3A_170 : i32
      %add3A_172 = vector.broadcast %mul3A_171 : i32 to vector<16xi32>
      %add3A_173 = arith.addi %add3A_172, %iota3A : vector<16xi32>
      %shift_right_arithmetic3A = arith.constant 3 : i32
      %shift_right_arithmetic3A_174 = vector.broadcast %shift_right_arithmetic3A : i32 to vector<16xi32>
      %shift_right_arithmetic3A_175 = arith.shrsi %add3A_173, %shift_right_arithmetic3A_174 : vector<16xi32>
      %gather3A = tpu.vector_load_idx %arg15[%shift_right_arithmetic3A_175] : memref<1000xi32, #tpu.memory_space<vmem>>[vector<16xi32>], vector<16xi32>,
      %and3A = arith.constant 7 : i32
      %and3A_176 = vector.broadcast %and3A : i32 to vector<16xi32>
      %and3A_177 = arith.andi %add3A_173, %and3A_176 : vector<16xi32>
      %shift_left3A = arith.constant 16 : i32
      %shift_left3A_178 = vector.broadcast %shift_left3A : i32 to vector<16xi32>
      %shift_left3A_179 = arith.shli %and3A_177, %shift_left3A_178 : vector<16xi32>
      %add3A_180 = vector.broadcast %mul3A_47 : i32 to vector<16xi32>
      %add3A_181 = arith.addi %add3A_180, %shift_left3A_179 : vector<16xi32>
      %shift_right_arithmetic3A_182 = arith.constant 11 : i32
      %shift_right_arithmetic3A_183 = vector.broadcast %shift_right_arithmetic3A_182 : i32 to vector<16xi32>
      %shift_right_arithmetic3A_184 = arith.shrsi %gather3A, %shift_right_arithmetic3A_183 : vector<16xi32>
      %shift_left3A_185 = arith.constant 11 : i32
      %shift_left3A_186 = vector.broadcast %shift_left3A_185 : i32 to vector<16xi32>
      %shift_left3A_187 = arith.shli %shift_right_arithmetic3A_184, %shift_left3A_186 : vector<16xi32>
      %shift_right_arithmetic3A_188 = arith.constant 7 : i32
      %shift_right_arithmetic3A_189 = vector.broadcast %shift_right_arithmetic3A_188 : i32 to vector<16xi32>
      %shift_right_arithmetic3A_190 = arith.shrsi %gather3A, %shift_right_arithmetic3A_189 : vector<16xi32>
      %and3A_191 = arith.constant 1 : i32
      %and3A_192 = vector.broadcast %and3A_191 : i32 to vector<16xi32>
      %and3A_193 = arith.andi %shift_right_arithmetic3A_190, %and3A_192 : vector<16xi32>
      %shift_left3A_194 = arith.constant 10 : i32
      %shift_left3A_195 = vector.broadcast %shift_left3A_194 : i32 to vector<16xi32>
      %shift_left3A_196 = arith.shli %and3A_193, %shift_left3A_195 : vector<16xi32>
      %shift_right_arithmetic3A_197 = arith.constant 8 : i32
      %shift_right_arithmetic3A_198 = vector.broadcast %shift_right_arithmetic3A_197 : i32 to vector<16xi32>
      %shift_right_arithmetic3A_199 = arith.shrsi %gather3A, %shift_right_arithmetic3A_198 : vector<16xi32>
      %and3A_200 = arith.constant 7 : i32
      %and3A_201 = vector.broadcast %and3A_200 : i32 to vector<16xi32>
      %and3A_202 = arith.andi %shift_right_arithmetic3A_199, %and3A_201 : vector<16xi32>
      %shift_left3A_203 = arith.constant 7 : i32
      %shift_left3A_204 = vector.broadcast %shift_left3A_203 : i32 to vector<16xi32>
      %shift_left3A_205 = arith.shli %and3A_202, %shift_left3A_204 : vector<16xi32>
      %and3A_206 = arith.constant 127 : i32
      %and3A_207 = vector.broadcast %and3A_206 : i32 to vector<16xi32>
      %and3A_208 = arith.andi %gather3A, %and3A_207 : vector<16xi32>
      %add3A_209 = arith.addi %shift_left3A_187, %shift_left3A_196 : vector<16xi32>
      %add3A_210 = arith.addi %add3A_209, %shift_left3A_205 : vector<16xi32>
      %add3A_211 = arith.addi %add3A_210, %and3A_208 : vector<16xi32>
      %add3A_212 = arith.addi %add3A_181, %add3A_211 : vector<16xi32>
      %mul3A_213 = arith.constant 2 : i32
      %mul3A_214 = arith.muli %mul3A_213, %scan3A_164 : i32
      %add3A_215 = arith.constant 0 : i32
      %add3A_216 = arith.addi %mul3A_214, %add3A_215 : i32
      %mul3A_217 = arith.constant 16 : i32
      %mul3A_218 = arith.muli %add3A_216, %mul3A_217 : i32
      %swap3A_219 = arith.index_cast %mul3A_218 : i32 to index
      %swap3A_220 = tpu.vector_load %arg20[%swap3A_219] {strides = array<i32>} : memref<8000xi32, #tpu.memory_space<vmem>>, vector<16xi32>,
      tpu.vector_store %arg20[%swap3A_219], %add3A_212 {strides = array<i32>} : memref<8000xi32, #tpu.memory_space<vmem>>, vector<16xi32>,
      %mul3A_221 = arith.constant 2 : i32
      %mul3A_222 = arith.muli %mul3A_221, %scan3A_164 : i32
      %add3A_223 = arith.constant 1 : i32
      %add3A_224 = arith.addi %mul3A_222, %add3A_223 : i32
      %mul3A_225 = arith.constant 16 : i32
      %mul3A_226 = arith.muli %add3A_224, %mul3A_225 : i32
      %add3A_227 = vector.broadcast %mul3A_226 : i32 to vector<16xi32>
      %add3A_228 = arith.addi %add3A_227, %iota3A : vector<16xi32>
      %shift_right_arithmetic3A_229 = arith.constant 3 : i32
      %shift_right_arithmetic3A_230 = vector.broadcast %shift_right_arithmetic3A_229 : i32 to vector<16xi32>
      %shift_right_arithmetic3A_231 = arith.shrsi %add3A_228, %shift_right_arithmetic3A_230 : vector<16xi32>
      %gather3A_232 = tpu.vector_load_idx %arg15[%shift_right_arithmetic3A_231] : memref<1000xi32, #tpu.memory_space<vmem>>[vector<16xi32>], vector<16xi32>,
      %and3A_233 = arith.constant 7 : i32
      %and3A_234 = vector.broadcast %and3A_233 : i32 to vector<16xi32>
      %and3A_235 = arith.andi %add3A_228, %and3A_234 : vector<16xi32>
      %shift_left3A_236 = arith.constant 16 : i32
      %shift_left3A_237 = vector.broadcast %shift_left3A_236 : i32 to vector<16xi32>
      %shift_left3A_238 = arith.shli %and3A_235, %shift_left3A_237 : vector<16xi32>
      %add3A_239 = vector.broadcast %mul3A_47 : i32 to vector<16xi32>
      %add3A_240 = arith.addi %add3A_239, %shift_left3A_238 : vector<16xi32>
      %shift_right_arithmetic3A_241 = arith.constant 11 : i32
      %shift_right_arithmetic3A_242 = vector.broadcast %shift_right_arithmetic3A_241 : i32 to vector<16xi32>
      %shift_right_arithmetic3A_243 = arith.shrsi %gather3A_232, %shift_right_arithmetic3A_242 : vector<16xi32>
      %shift_left3A_244 = arith.constant 11 : i32
      %shift_left3A_245 = vector.broadcast %shift_left3A_244 : i32 to vector<16xi32>
      %shift_left3A_246 = arith.shli %shift_right_arithmetic3A_243, %shift_left3A_245 : vector<16xi32>
      %shift_right_arithmetic3A_247 = arith.constant 7 : i32
      %shift_right_arithmetic3A_248 = vector.broadcast %shift_right_arithmetic3A_247 : i32 to vector<16xi32>
      %shift_right_arithmetic3A_249 = arith.shrsi %gather3A_232, %shift_right_arithmetic3A_248 : vector<16xi32>
      %and3A_250 = arith.constant 1 : i32
      %and3A_251 = vector.broadcast %and3A_250 : i32 to vector<16xi32>
      %and3A_252 = arith.andi %shift_right_arithmetic3A_249, %and3A_251 : vector<16xi32>
      %shift_left3A_253 = arith.constant 10 : i32
      %shift_left3A_254 = vector.broadcast %shift_left3A_253 : i32 to vector<16xi32>
      %shift_left3A_255 = arith.shli %and3A_252, %shift_left3A_254 : vector<16xi32>
      %shift_right_arithmetic3A_256 = arith.constant 8 : i32
      %shift_right_arithmetic3A_257 = vector.broadcast %shift_right_arithmetic3A_256 : i32 to vector<16xi32>
      %shift_right_arithmetic3A_258 = arith.shrsi %gather3A_232, %shift_right_arithmetic3A_257 : vector<16xi32>
      %and3A_259 = arith.constant 7 : i32
      %and3A_260 = vector.broadcast %and3A_259 : i32 to vector<16xi32>
      %and3A_261 = arith.andi %shift_right_arithmetic3A_258, %and3A_260 : vector<16xi32>
      %shift_left3A_262 = arith.constant 7 : i32
      %shift_left3A_263 = vector.broadcast %shift_left3A_262 : i32 to vector<16xi32>
      %shift_left3A_264 = arith.shli %and3A_261, %shift_left3A_263 : vector<16xi32>
      %and3A_265 = arith.constant 127 : i32
      %and3A_266 = vector.broadcast %and3A_265 : i32 to vector<16xi32>
      %and3A_267 = arith.andi %gather3A_232, %and3A_266 : vector<16xi32>
      %add3A_268 = arith.addi %shift_left3A_246, %shift_left3A_255 : vector<16xi32>
      %add3A_269 = arith.addi %add3A_268, %shift_left3A_264 : vector<16xi32>
      %add3A_270 = arith.addi %add3A_269, %and3A_267 : vector<16xi32>
      %add3A_271 = arith.addi %add3A_240, %add3A_270 : vector<16xi32>
      %mul3A_272 = arith.constant 2 : i32
      %mul3A_273 = arith.muli %mul3A_272, %scan3A_164 : i32
      %add3A_274 = arith.constant 1 : i32
      %add3A_275 = arith.addi %mul3A_273, %add3A_274 : i32
      %mul3A_276 = arith.constant 16 : i32
      %mul3A_277 = arith.muli %add3A_275, %mul3A_276 : i32
      %swap3A_278 = arith.index_cast %mul3A_277 : i32 to index
      %swap3A_279 = tpu.vector_load %arg20[%swap3A_278] {strides = array<i32>} : memref<8000xi32, #tpu.memory_space<vmem>>, vector<16xi32>,
      tpu.vector_store %arg20[%swap3A_278], %add3A_271 {strides = array<i32>} : memref<8000xi32, #tpu.memory_space<vmem>>, vector<16xi32>,
      %scan3A_280 = arith.constant 0 : i32
      scf.yield %scan3A_280 : i32
    }
    %scan3A_73 = arith.constant 250 : i32
    %dma_start3A_74 = arith.constant 0 : i32
    %dma_start3A_75 = tpu.memref_slice %arg22[%dma_start3A_74] : memref<8000xf32, #tpu.memory_space<vmem>> -> memref<4000xf32, #tpu.memory_space<vmem>>
    %dma_start3A_76 = arith.constant 0 : i32
    %dma_start3A_77 = tpu.memref_slice %arg20[%dma_start3A_76] : memref<8000xi32, #tpu.memory_space<vmem>> -> memref<4000xi32, #tpu.memory_space<vmem>>
    %dma_start3A_78 = arith.constant 0 : i32
    %dma_start3A_79 = tpu.memref_slice %arg6[%dma_start3A_78] : memref<16777216xf32, #tpu.memory_space<hbm>> -> memref<16777216xf32, #tpu.memory_space<hbm>>
    tpu.enqueue_indirect_dma source(%dma_start3A_79 : memref<16777216xf32, #tpu.memory_space<hbm>>) target(%dma_start3A_75 : memref<4000xf32, #tpu.memory_space<vmem>>) offsets(%dma_start3A_77 : memref<4000xi32, #tpu.memory_space<vmem>>) semaphore(%arg25 : memref<!tpu.dma_semaphore, #tpu.memory_space<semaphore_mem>>)
    %dma_start3A_80 = arith.constant 4000 : i32
    %dma_start3A_81 = tpu.memref_slice %arg22[%dma_start3A_80] : memref<8000xf32, #tpu.memory_space<vmem>> -> memref<4000xf32, #tpu.memory_space<vmem>>
    %dma_start3A_82 = arith.constant 4000 : i32
    %dma_start3A_83 = tpu.memref_slice %arg20[%dma_start3A_82] : memref<8000xi32, #tpu.memory_space<vmem>> -> memref<4000xi32, #tpu.memory_space<vmem>>
    %dma_start3A_84 = arith.constant 0 : i32
    %dma_start3A_85 = tpu.memref_slice %arg6[%dma_start3A_84] : memref<16777216xf32, #tpu.memory_space<hbm>> -> memref<16777216xf32, #tpu.memory_space<hbm>>
    tpu.enqueue_indirect_dma source(%dma_start3A_85 : memref<16777216xf32, #tpu.memory_space<hbm>>) target(%dma_start3A_81 : memref<4000xf32, #tpu.memory_space<vmem>>) offsets(%dma_start3A_83 : memref<4000xi32, #tpu.memory_space<vmem>>) semaphore(%arg27 : memref<!tpu.dma_semaphore, #tpu.memory_space<semaphore_mem>>)
    %dma_wait3A_86 = arith.constant 0 : i32
    %dma_wait3A_87 = tpu.memref_slice %arg4[%add3A, %dma_wait3A_86] : memref<32x500xi32, #tpu.memory_space<hbm>> -> memref<1x500xi32, #tpu.memory_space<hbm>>
    %dma_wait3A_88 = tpu.memref_squeeze %dma_wait3A_87 : memref<1x500xi32, #tpu.memory_space<hbm>> -> memref<500xi32, #tpu.memory_space<hbm>>
    %dma_wait3A_89 = arith.constant 0 : i32
    %dma_wait3A_90 = tpu.memref_slice %arg4[%add3A, %dma_wait3A_89] : memref<32x500xi32, #tpu.memory_space<hbm>> -> memref<1x500xi32, #tpu.memory_space<hbm>>
    %dma_wait3A_91 = tpu.memref_squeeze %dma_wait3A_90 : memref<1x500xi32, #tpu.memory_space<hbm>> -> memref<500xi32, #tpu.memory_space<hbm>>
    tpu.wait_dma2 semaphore(%arg28 : memref<!tpu.dma_semaphore, #tpu.memory_space<semaphore_mem>>) src(%dma_wait3A_91 : memref<500xi32, #tpu.memory_space<hbm>>) dst(%arg13 : memref<500xi32, #tpu.memory_space<vmem>>)
    %dma_wait3A_92 = arith.constant 0 : i32
    %dma_wait3A_93 = tpu.memref_slice %arg8[%add3A, %dma_wait3A_92] : memref<32x1000xi32, #tpu.memory_space<hbm>> -> memref<1x1000xi32, #tpu.memory_space<hbm>>
    %dma_wait3A_94 = tpu.memref_squeeze %dma_wait3A_93 : memref<1x1000xi32, #tpu.memory_space<hbm>> -> memref<1000xi32, #tpu.memory_space<hbm>>
    %dma_wait3A_95 = arith.constant 0 : i32
    %dma_wait3A_96 = tpu.memref_slice %arg8[%add3A, %dma_wait3A_95] : memref<32x1000xi32, #tpu.memory_space<hbm>> -> memref<1x1000xi32, #tpu.memory_space<hbm>>
    %dma_wait3A_97 = tpu.memref_squeeze %dma_wait3A_96 : memref<1x1000xi32, #tpu.memory_space<hbm>> -> memref<1000xi32, #tpu.memory_space<hbm>>
    tpu.wait_dma2 semaphore(%arg28 : memref<!tpu.dma_semaphore, #tpu.memory_space<semaphore_mem>>) src(%dma_wait3A_97 : memref<1000xi32, #tpu.memory_space<hbm>>) dst(%arg16 : memref<1000xi32, #tpu.memory_space<vmem>>)
    %dma_wait3A_98 = arith.constant 0 : i32
    %dma_wait3A_99 = arith.constant 0 : i32
    %dma_wait3A_100 = tpu.memref_slice %arg5[%add3A, %dma_wait3A_98, %dma_wait3A_99] : memref<32x8x500xf32, #tpu.memory_space<hbm>> -> memref<1x8x500xf32, #tpu.memory_space<hbm>>
    %dma_wait3A_101 = tpu.memref_squeeze %dma_wait3A_100 : memref<1x8x500xf32, #tpu.memory_space<hbm>> -> memref<8x500xf32, #tpu.memory_space<hbm>>
    %dma_wait3A_102 = arith.constant 0 : i32
    %dma_wait3A_103 = arith.constant 0 : i32
    %dma_wait3A_104 = tpu.memref_slice %arg5[%add3A, %dma_wait3A_102, %dma_wait3A_103] : memref<32x8x500xf32, #tpu.memory_space<hbm>> -> memref<1x8x500xf32, #tpu.memory_space<hbm>>
    %dma_wait3A_105 = tpu.memref_squeeze %dma_wait3A_104 : memref<1x8x500xf32, #tpu.memory_space<hbm>> -> memref<8x500xf32, #tpu.memory_space<hbm>>
    tpu.wait_dma2 semaphore(%arg28 : memref<!tpu.dma_semaphore, #tpu.memory_space<semaphore_mem>>) src(%dma_wait3A_105 : memref<8x500xf32, #tpu.memory_space<hbm>>) dst(%arg14 : memref<8x500xf32, #tpu.memory_space<vmem>>)
    %dma_wait3A_106 = arith.constant 0 : i32
    %dma_wait3A_107 = arith.constant 0 : i32
    %dma_wait3A_108 = tpu.memref_slice %arg9[%add3A, %dma_wait3A_106, %dma_wait3A_107] : memref<32x8x1000xf32, #tpu.memory_space<hbm>> -> memref<1x8x1000xf32, #tpu.memory_space<hbm>>
    %dma_wait3A_109 = tpu.memref_squeeze %dma_wait3A_108 : memref<1x8x1000xf32, #tpu.memory_space<hbm>> -> memref<8x1000xf32, #tpu.memory_space<hbm>>
    %dma_wait3A_110 = arith.constant 0 : i32
    %dma_wait3A_111 = arith.constant 0 : i32
    %dma_wait3A_112 = tpu.memref_slice %arg9[%add3A, %dma_wait3A_110, %dma_wait3A_111] : memref<32x8x1000xf32, #tpu.memory_space<hbm>> -> memref<1x8x1000xf32, #tpu.memory_space<hbm>>
    %dma_wait3A_113 = tpu.memref_squeeze %dma_wait3A_112 : memref<1x8x1000xf32, #tpu.memory_space<hbm>> -> memref<8x1000xf32, #tpu.memory_space<hbm>>
    tpu.wait_dma2 semaphore(%arg28 : memref<!tpu.dma_semaphore, #tpu.memory_space<semaphore_mem>>) src(%dma_wait3A_113 : memref<8x1000xf32, #tpu.memory_space<hbm>>) dst(%arg17 : memref<8x1000xf32, #tpu.memory_space<vmem>>)
    %dma_wait3A_114 = arith.constant 0 : i32
    %dma_wait3A_115 = tpu.memref_slice %arg10[%add3A, %dma_wait3A_114] : memref<32x2000xi32, #tpu.memory_space<hbm>> -> memref<1x2000xi32, #tpu.memory_space<hbm>>
    %dma_wait3A_116 = tpu.memref_squeeze %dma_wait3A_115 : memref<1x2000xi32, #tpu.memory_space<hbm>> -> memref<2000xi32, #tpu.memory_space<hbm>>
    %dma_wait3A_117 = arith.constant 0 : i32
    %dma_wait3A_118 = tpu.memref_slice %arg10[%add3A, %dma_wait3A_117] : memref<32x2000xi32, #tpu.memory_space<hbm>> -> memref<1x2000xi32, #tpu.memory_space<hbm>>
    %dma_wait3A_119 = tpu.memref_squeeze %dma_wait3A_118 : memref<1x2000xi32, #tpu.memory_space<hbm>> -> memref<2000xi32, #tpu.memory_space<hbm>>
    tpu.wait_dma2 semaphore(%arg28 : memref<!tpu.dma_semaphore, #tpu.memory_space<semaphore_mem>>) src(%dma_wait3A_119 : memref<2000xi32, #tpu.memory_space<hbm>>) dst(%arg18 : memref<2000xi32, #tpu.memory_space<vmem>>)
    %dma_wait3A_120 = arith.constant 0 : i32
    %dma_wait3A_121 = tpu.memref_slice %arg22[%dma_wait3A_120] : memref<8000xf32, #tpu.memory_space<vmem>> -> memref<4000xf32, #tpu.memory_space<vmem>>
    %dma_wait3A_122 = arith.constant 0 : i32
    %dma_wait3A_123 = tpu.memref_slice %arg20[%dma_wait3A_122] : memref<8000xi32, #tpu.memory_space<vmem>> -> memref<4000xi32, #tpu.memory_space<vmem>>
    %dma_wait3A_124 = arith.constant 0 : i32
    %dma_wait3A_125 = tpu.memref_slice %arg6[%dma_wait3A_124] : memref<16777216xf32, #tpu.memory_space<hbm>> -> memref<16777216xf32, #tpu.memory_space<hbm>>
    tpu.wait_indirect_dma semaphore(%arg25 : memref<!tpu.dma_semaphore, #tpu.memory_space<semaphore_mem>>) src(%dma_wait3A_125 : memref<16777216xf32, #tpu.memory_space<hbm>>) dst(%dma_wait3A_121 : memref<4000xf32, #tpu.memory_space<vmem>>)
    %broadcast_in_dim3A = arith.constant 0.000000e+00 : f32
    %broadcast_in_dim3A_126 = vector.broadcast %broadcast_in_dim3A : f32 to vector<16xf32>
    %scan3A_127 = arith.constant 0 : i32
    %scan3A_128 = arith.constant 250 : i32
    %scan3A_129 = arith.addi %scan3A_127, %scan3A_128 : i32
    %scan3A_130 = arith.constant 1 : i32
    %scan3A_131:2 = scf.for %scan3A_164 = %scan3A_127 to %scan3A_129 step %scan3A_130 iter_args(%scan3A_165 = %broadcast_in_dim3A_126, %scan3A_166 = %broadcast_in_dim3A_126) -> (vector<16xf32>, vector<16xf32>)  : i32 {
      %mul3A_167 = arith.constant 16 : i32
      %mul3A_168 = arith.muli %scan3A_164, %mul3A_167 : i32
      %add3A_169 = vector.broadcast %mul3A_168 : i32 to vector<16xi32>
      %add3A_170 = arith.addi %add3A_169, %iota3A : vector<16xi32>
      %shift_right_arithmetic3A = arith.constant 3 : i32
      %shift_right_arithmetic3A_171 = vector.broadcast %shift_right_arithmetic3A : i32 to vector<16xi32>
      %shift_right_arithmetic3A_172 = arith.shrsi %add3A_170, %shift_right_arithmetic3A_171 : vector<16xi32>
      %and3A = arith.constant 7 : i32
      %and3A_173 = vector.broadcast %and3A : i32 to vector<16xi32>
      %and3A_174 = arith.andi %add3A_170, %and3A_173 : vector<16xi32>
      %mul3A_175 = arith.constant 16 : i32
      %mul3A_176 = arith.muli %scan3A_164, %mul3A_175 : i32
      %get3A = arith.index_cast %mul3A_176 : i32 to index
      %get3A_177 = tpu.vector_load %arg22[%get3A] {strides = array<i32>} : memref<8000xf32, #tpu.memory_space<vmem>>, vector<16xf32>,
      %gather3A = tpu.vector_load_idx %arg17[%and3A_174, %shift_right_arithmetic3A_172] : memref<8x1000xf32, #tpu.memory_space<vmem>>[vector<16xi32>, vector<16xi32>], vector<16xf32>,
      %gather3A_178 = tpu.vector_load_idx %arg16[%shift_right_arithmetic3A_172] : memref<1000xi32, #tpu.memory_space<vmem>>[vector<16xi32>], vector<16xi32>,
      %convert_element_type3A = arith.sitofp %gather3A_178 : vector<16xi32> to vector<16xf32>
      %eq3A = arith.constant 0.000000e+00 : f32
      %eq3A_179 = vector.broadcast %eq3A : f32 to vector<16xf32>
      %eq3A_180 = arith.cmpf oeq, %gather3A, %eq3A_179 : vector<16xf32>
      %sub3A = arith.constant 1.000000e+00 : f32
      %sub3A_181 = vector.broadcast %sub3A : f32 to vector<16xf32>
      %sub3A_182 = arith.subf %sub3A_181, %convert_element_type3A : vector<16xf32>
      %select_n3A = arith.select %eq3A_180, %convert_element_type3A, %sub3A_182 : vector<16xi1>, vector<16xf32>
      %sub3A_183 = arith.subf %get3A_177, %gather3A : vector<16xf32>
      %abs3A = math.absf %sub3A_183 : vector<16xf32>
      %mul3A_184 = arith.mulf %abs3A, %select_n3A : vector<16xf32>
      %add3A_185 = arith.addf %scan3A_165, %mul3A_184 : vector<16xf32>
      %add3A_186 = arith.addf %scan3A_166, %select_n3A : vector<16xf32>
      scf.yield %add3A_185, %add3A_186 : vector<16xf32>, vector<16xf32>
    }
    %scan3A_132 = arith.constant 250 : i32
    %dma_wait3A_133 = arith.constant 4000 : i32
    %dma_wait3A_134 = tpu.memref_slice %arg22[%dma_wait3A_133] : memref<8000xf32, #tpu.memory_space<vmem>> -> memref<4000xf32, #tpu.memory_space<vmem>>
    %dma_wait3A_135 = arith.constant 4000 : i32
    %dma_wait3A_136 = tpu.memref_slice %arg20[%dma_wait3A_135] : memref<8000xi32, #tpu.memory_space<vmem>> -> memref<4000xi32, #tpu.memory_space<vmem>>
    %dma_wait3A_137 = arith.constant 0 : i32
    %dma_wait3A_138 = tpu.memref_slice %arg6[%dma_wait3A_137] : memref<16777216xf32, #tpu.memory_space<hbm>> -> memref<16777216xf32, #tpu.memory_space<hbm>>
    tpu.wait_indirect_dma semaphore(%arg27 : memref<!tpu.dma_semaphore, #tpu.memory_space<semaphore_mem>>) src(%dma_wait3A_138 : memref<16777216xf32, #tpu.memory_space<hbm>>) dst(%dma_wait3A_134 : memref<4000xf32, #tpu.memory_space<vmem>>)
    %scan3A_139 = arith.constant 250 : i32
    %scan3A_140 = arith.constant 250 : i32
    %scan3A_141 = arith.addi %scan3A_139, %scan3A_140 : i32
    %scan3A_142 = arith.constant 1 : i32
    %scan3A_143:2 = scf.for %scan3A_164 = %scan3A_139 to %scan3A_141 step %scan3A_142 iter_args(%scan3A_165 = %scan3A_131#0, %scan3A_166 = %scan3A_131#1) -> (vector<16xf32>, vector<16xf32>)  : i32 {
      %mul3A_167 = arith.constant 16 : i32
      %mul3A_168 = arith.muli %scan3A_164, %mul3A_167 : i32
      %add3A_169 = vector.broadcast %mul3A_168 : i32 to vector<16xi32>
      %add3A_170 = arith.addi %add3A_169, %iota3A : vector<16xi32>
      %shift_right_arithmetic3A = arith.constant 3 : i32
      %shift_right_arithmetic3A_171 = vector.broadcast %shift_right_arithmetic3A : i32 to vector<16xi32>
      %shift_right_arithmetic3A_172 = arith.shrsi %add3A_170, %shift_right_arithmetic3A_171 : vector<16xi32>
      %and3A = arith.constant 7 : i32
      %and3A_173 = vector.broadcast %and3A : i32 to vector<16xi32>
      %and3A_174 = arith.andi %add3A_170, %and3A_173 : vector<16xi32>
      %mul3A_175 = arith.constant 16 : i32
      %mul3A_176 = arith.muli %scan3A_164, %mul3A_175 : i32
      %get3A = arith.index_cast %mul3A_176 : i32 to index
      %get3A_177 = tpu.vector_load %arg22[%get3A] {strides = array<i32>} : memref<8000xf32, #tpu.memory_space<vmem>>, vector<16xf32>,
      %gather3A = tpu.vector_load_idx %arg17[%and3A_174, %shift_right_arithmetic3A_172] : memref<8x1000xf32, #tpu.memory_space<vmem>>[vector<16xi32>, vector<16xi32>], vector<16xf32>,
      %gather3A_178 = tpu.vector_load_idx %arg16[%shift_right_arithmetic3A_172] : memref<1000xi32, #tpu.memory_space<vmem>>[vector<16xi32>], vector<16xi32>,
      %convert_element_type3A = arith.sitofp %gather3A_178 : vector<16xi32> to vector<16xf32>
      %eq3A = arith.constant 0.000000e+00 : f32
      %eq3A_179 = vector.broadcast %eq3A : f32 to vector<16xf32>
      %eq3A_180 = arith.cmpf oeq, %gather3A, %eq3A_179 : vector<16xf32>
      %sub3A = arith.constant 1.000000e+00 : f32
      %sub3A_181 = vector.broadcast %sub3A : f32 to vector<16xf32>
      %sub3A_182 = arith.subf %sub3A_181, %convert_element_type3A : vector<16xf32>
      %select_n3A = arith.select %eq3A_180, %convert_element_type3A, %sub3A_182 : vector<16xi1>, vector<16xf32>
      %sub3A_183 = arith.subf %get3A_177, %gather3A : vector<16xf32>
      %abs3A = math.absf %sub3A_183 : vector<16xf32>
      %mul3A_184 = arith.mulf %abs3A, %select_n3A : vector<16xf32>
      %add3A_185 = arith.addf %scan3A_165, %mul3A_184 : vector<16xf32>
      %add3A_186 = arith.addf %scan3A_166, %select_n3A : vector<16xf32>
      scf.yield %add3A_185, %add3A_186 : vector<16xf32>, vector<16xf32>
    }
    %scan3A_144 = arith.constant 250 : i32
    %dma_wait3A_145 = arith.constant 0 : i32
    %dma_wait3A_146 = tpu.memref_slice %arg2[%dma_wait3A_145] : memref<16777216xf32, #tpu.memory_space<hbm>> -> memref<16777216xf32, #tpu.memory_space<hbm>>
    tpu.wait_indirect_dma semaphore(%arg24 : memref<!tpu.dma_semaphore, #tpu.memory_space<semaphore_mem>>) src(%dma_wait3A_146 : memref<16777216xf32, #tpu.memory_space<hbm>>) dst(%arg21 : memref<4000xf32, #tpu.memory_space<vmem>>)
    %scan3A_147 = arith.constant 0 : i32
    %scan3A_148 = arith.constant 125 : i32
    %scan3A_149 = arith.addi %scan3A_147, %scan3A_148 : i32
    %scan3A_150 = arith.constant 1 : i32
    %scan3A_151:3 = scf.for %scan3A_164 = %scan3A_147 to %scan3A_149 step %scan3A_150 iter_args(%scan3A_165 = %broadcast_in_dim3A_126, %scan3A_166 = %broadcast_in_dim3A_126, %scan3A_167 = %broadcast_in_dim3A_126) -> (vector<16xf32>, vector<16xf32>, vector<16xf32>)  : i32 {
      %mul3A_168 = arith.constant 2 : i32
      %mul3A_169 = arith.muli %mul3A_168, %scan3A_164 : i32
      %add3A_170 = arith.constant 0 : i32
      %add3A_171 = arith.addi %mul3A_169, %add3A_170 : i32
      %mul3A_172 = arith.constant 16 : i32
      %mul3A_173 = arith.muli %add3A_171, %mul3A_172 : i32
      %add3A_174 = vector.broadcast %mul3A_173 : i32 to vector<16xi32>
      %add3A_175 = arith.addi %add3A_174, %iota3A : vector<16xi32>
      %shift_right_arithmetic3A = arith.constant 3 : i32
      %shift_right_arithmetic3A_176 = vector.broadcast %shift_right_arithmetic3A : i32 to vector<16xi32>
      %shift_right_arithmetic3A_177 = arith.shrsi %add3A_175, %shift_right_arithmetic3A_176 : vector<16xi32>
      %and3A = arith.constant 7 : i32
      %and3A_178 = vector.broadcast %and3A : i32 to vector<16xi32>
      %and3A_179 = arith.andi %add3A_175, %and3A_178 : vector<16xi32>
      %mul3A_180 = arith.constant 16 : i32
      %mul3A_181 = arith.muli %add3A_171, %mul3A_180 : i32
      %get3A = arith.index_cast %mul3A_181 : i32 to index
      %get3A_182 = tpu.vector_load %arg21[%get3A] {strides = array<i32>} : memref<4000xf32, #tpu.memory_space<vmem>>, vector<16xf32>,
      %gather3A = tpu.vector_load_idx %arg14[%and3A_179, %shift_right_arithmetic3A_177] : memref<8x500xf32, #tpu.memory_space<vmem>>[vector<16xi32>, vector<16xi32>], vector<16xf32>,
      %shift_right_arithmetic3A_183 = arith.constant 1 : i32
      %shift_right_arithmetic3A_184 = vector.broadcast %shift_right_arithmetic3A_183 : i32 to vector<16xi32>
      %shift_right_arithmetic3A_185 = arith.shrsi %add3A_175, %shift_right_arithmetic3A_184 : vector<16xi32>
      %gather3A_186 = tpu.vector_load_idx %arg18[%shift_right_arithmetic3A_185] : memref<2000xi32, #tpu.memory_space<vmem>>[vector<16xi32>], vector<16xi32>,
      %shift_left3A = arith.constant 1 : i32
      %shift_left3A_187 = vector.broadcast %shift_left3A : i32 to vector<16xi32>
      %shift_left3A_188 = arith.shli %gather3A_186, %shift_left3A_187 : vector<16xi32>
      %and3A_189 = arith.constant 1 : i32
      %and3A_190 = vector.broadcast %and3A_189 : i32 to vector<16xi32>
      %and3A_191 = arith.andi %add3A_175, %and3A_190 : vector<16xi32>
      %add3A_192 = arith.addi %shift_left3A_188, %and3A_191 : vector<16xi32>
      %gather3A_193 = tpu.vector_load_idx %arg22[%add3A_192] : memref<8000xf32, #tpu.memory_space<vmem>>[vector<16xi32>], vector<16xf32>,
      %and3A_194 = arith.constant 7 : i32
      %and3A_195 = vector.broadcast %and3A_194 : i32 to vector<16xi32>
      %and3A_196 = arith.andi %add3A_192, %and3A_195 : vector<16xi32>
      %shift_right_arithmetic3A_197 = arith.constant 3 : i32
      %shift_right_arithmetic3A_198 = vector.broadcast %shift_right_arithmetic3A_197 : i32 to vector<16xi32>
      %shift_right_arithmetic3A_199 = arith.shrsi %add3A_192, %shift_right_arithmetic3A_198 : vector<16xi32>
      %gather3A_200 = tpu.vector_load_idx %arg17[%and3A_196, %shift_right_arithmetic3A_199] : memref<8x1000xf32, #tpu.memory_space<vmem>>[vector<16xi32>, vector<16xi32>], vector<16xf32>,
      %gather3A_201 = tpu.vector_load_idx %arg13[%shift_right_arithmetic3A_177] : memref<500xi32, #tpu.memory_space<vmem>>[vector<16xi32>], vector<16xi32>,
      %convert_element_type3A = arith.sitofp %gather3A_201 : vector<16xi32> to vector<16xf32>
      %sub3A = arith.subf %get3A_182, %gather3A : vector<16xf32>
      %abs3A = math.absf %sub3A : vector<16xf32>
      %sub3A_202 = arith.subf %gather3A_193, %gather3A_200 : vector<16xf32>
      %abs3A_203 = math.absf %sub3A_202 : vector<16xf32>
      %add3A_204 = arith.addf %abs3A, %abs3A_203 : vector<16xf32>
      %abs3A_205 = math.absf %gather3A : vector<16xf32>
      %add3A_206 = arith.constant 9.99999974E-5 : f32
      %add3A_207 = vector.broadcast %add3A_206 : f32 to vector<16xf32>
      %add3A_208 = arith.addf %abs3A_205, %add3A_207 : vector<16xf32>
      %div3A = arith.divf %add3A_204, %add3A_208 : vector<16xf32>
      %min3A = arith.constant 1.000000e+00 : f32
      %min3A_209 = vector.broadcast %min3A : f32 to vector<16xf32>
      %min3A_210 = arith.minimumf %div3A, %min3A_209 : vector<16xf32>
      %mul3A_211 = arith.constant 1.57079601 : f32
      %mul3A_212 = vector.broadcast %mul3A_211 : f32 to vector<16xf32>
      %mul3A_213 = arith.mulf %mul3A_212, %min3A_210 : vector<16xf32>
      %mul3A_214 = arith.mulf %mul3A_213, %mul3A_213 : vector<16xf32>
      %mul3A_215 = arith.constant 2.75573188E-6 : f32
      %mul3A_216 = vector.broadcast %mul3A_215 : f32 to vector<16xf32>
      %mul3A_217 = arith.mulf %mul3A_216, %mul3A_214 : vector<16xf32>
      %sub3A_218 = arith.constant 1.98412701E-4 : f32
      %sub3A_219 = vector.broadcast %sub3A_218 : f32 to vector<16xf32>
      %sub3A_220 = arith.subf %mul3A_217, %sub3A_219 : vector<16xf32>
      %mul3A_221 = arith.mulf %sub3A_220, %mul3A_214 : vector<16xf32>
      %add3A_222 = arith.constant 0.00833333377 : f32
      %add3A_223 = vector.broadcast %add3A_222 : f32 to vector<16xf32>
      %add3A_224 = arith.addf %mul3A_221, %add3A_223 : vector<16xf32>
      %mul3A_225 = arith.mulf %add3A_224, %mul3A_214 : vector<16xf32>
      %sub3A_226 = arith.constant 0.166666672 : f32
      %sub3A_227 = vector.broadcast %sub3A_226 : f32 to vector<16xf32>
      %sub3A_228 = arith.subf %mul3A_225, %sub3A_227 : vector<16xf32>
      %mul3A_229 = arith.mulf %sub3A_228, %mul3A_214 : vector<16xf32>
      %add3A_230 = arith.constant 1.000000e+00 : f32
      %add3A_231 = vector.broadcast %add3A_230 : f32 to vector<16xf32>
      %add3A_232 = arith.addf %mul3A_229, %add3A_231 : vector<16xf32>
      %mul3A_233 = arith.mulf %mul3A_213, %add3A_232 : vector<16xf32>
      %mul3A_234 = arith.mulf %convert_element_type3A, %mul3A_233 : vector<16xf32>
      %mul3A_235 = arith.mulf %abs3A, %mul3A_234 : vector<16xf32>
      %add3A_236 = arith.addf %scan3A_165, %mul3A_235 : vector<16xf32>
      %mul3A_237 = arith.mulf %abs3A_203, %mul3A_234 : vector<16xf32>
      %add3A_238 = arith.addf %scan3A_166, %mul3A_237 : vector<16xf32>
      %add3A_239 = arith.addf %scan3A_167, %convert_element_type3A : vector<16xf32>
      %mul3A_240 = arith.constant 2 : i32
      %mul3A_241 = arith.muli %mul3A_240, %scan3A_164 : i32
      %add3A_242 = arith.constant 1 : i32
      %add3A_243 = arith.addi %mul3A_241, %add3A_242 : i32
      %mul3A_244 = arith.constant 16 : i32
      %mul3A_245 = arith.muli %add3A_243, %mul3A_244 : i32
      %add3A_246 = vector.broadcast %mul3A_245 : i32 to vector<16xi32>
      %add3A_247 = arith.addi %add3A_246, %iota3A : vector<16xi32>
      %shift_right_arithmetic3A_248 = arith.constant 3 : i32
      %shift_right_arithmetic3A_249 = vector.broadcast %shift_right_arithmetic3A_248 : i32 to vector<16xi32>
      %shift_right_arithmetic3A_250 = arith.shrsi %add3A_247, %shift_right_arithmetic3A_249 : vector<16xi32>
      %and3A_251 = arith.constant 7 : i32
      %and3A_252 = vector.broadcast %and3A_251 : i32 to vector<16xi32>
      %and3A_253 = arith.andi %add3A_247, %and3A_252 : vector<16xi32>
      %mul3A_254 = arith.constant 16 : i32
      %mul3A_255 = arith.muli %add3A_243, %mul3A_254 : i32
      %get3A_256 = arith.index_cast %mul3A_255 : i32 to index
      %get3A_257 = tpu.vector_load %arg21[%get3A_256] {strides = array<i32>} : memref<4000xf32, #tpu.memory_space<vmem>>, vector<16xf32>,
      %gather3A_258 = tpu.vector_load_idx %arg14[%and3A_253, %shift_right_arithmetic3A_250] : memref<8x500xf32, #tpu.memory_space<vmem>>[vector<16xi32>, vector<16xi32>], vector<16xf32>,
      %shift_right_arithmetic3A_259 = arith.constant 1 : i32
      %shift_right_arithmetic3A_260 = vector.broadcast %shift_right_arithmetic3A_259 : i32 to vector<16xi32>
      %shift_right_arithmetic3A_261 = arith.shrsi %add3A_247, %shift_right_arithmetic3A_260 : vector<16xi32>
      %gather3A_262 = tpu.vector_load_idx %arg18[%shift_right_arithmetic3A_261] : memref<2000xi32, #tpu.memory_space<vmem>>[vector<16xi32>], vector<16xi32>,
      %shift_left3A_263 = arith.constant 1 : i32
      %shift_left3A_264 = vector.broadcast %shift_left3A_263 : i32 to vector<16xi32>
      %shift_left3A_265 = arith.shli %gather3A_262, %shift_left3A_264 : vector<16xi32>
      %and3A_266 = arith.constant 1 : i32
      %and3A_267 = vector.broadcast %and3A_266 : i32 to vector<16xi32>
      %and3A_268 = arith.andi %add3A_247, %and3A_267 : vector<16xi32>
      %add3A_269 = arith.addi %shift_left3A_265, %and3A_268 : vector<16xi32>
      %gather3A_270 = tpu.vector_load_idx %arg22[%add3A_269] : memref<8000xf32, #tpu.memory_space<vmem>>[vector<16xi32>], vector<16xf32>,
      %and3A_271 = arith.constant 7 : i32
      %and3A_272 = vector.broadcast %and3A_271 : i32 to vector<16xi32>
      %and3A_273 = arith.andi %add3A_269, %and3A_272 : vector<16xi32>
      %shift_right_arithmetic3A_274 = arith.constant 3 : i32
      %shift_right_arithmetic3A_275 = vector.broadcast %shift_right_arithmetic3A_274 : i32 to vector<16xi32>
      %shift_right_arithmetic3A_276 = arith.shrsi %add3A_269, %shift_right_arithmetic3A_275 : vector<16xi32>
      %gather3A_277 = tpu.vector_load_idx %arg17[%and3A_273, %shift_right_arithmetic3A_276] : memref<8x1000xf32, #tpu.memory_space<vmem>>[vector<16xi32>, vector<16xi32>], vector<16xf32>,
      %gather3A_278 = tpu.vector_load_idx %arg13[%shift_right_arithmetic3A_250] : memref<500xi32, #tpu.memory_space<vmem>>[vector<16xi32>], vector<16xi32>,
      %convert_element_type3A_279 = arith.sitofp %gather3A_278 : vector<16xi32> to vector<16xf32>
      %sub3A_280 = arith.subf %get3A_257, %gather3A_258 : vector<16xf32>
      %abs3A_281 = math.absf %sub3A_280 : vector<16xf32>
      %sub3A_282 = arith.subf %gather3A_270, %gather3A_277 : vector<16xf32>
      %abs3A_283 = math.absf %sub3A_282 : vector<16xf32>
      %add3A_284 = arith.addf %abs3A_281, %abs3A_283 : vector<16xf32>
      %abs3A_285 = math.absf %gather3A_258 : vector<16xf32>
      %add3A_286 = arith.constant 9.99999974E-5 : f32
      %add3A_287 = vector.broadcast %add3A_286 : f32 to vector<16xf32>
      %add3A_288 = arith.addf %abs3A_285, %add3A_287 : vector<16xf32>
      %div3A_289 = arith.divf %add3A_284, %add3A_288 : vector<16xf32>
      %min3A_290 = arith.constant 1.000000e+00 : f32
      %min3A_291 = vector.broadcast %min3A_290 : f32 to vector<16xf32>
      %min3A_292 = arith.minimumf %div3A_289, %min3A_291 : vector<16xf32>
      %mul3A_293 = arith.constant 1.57079601 : f32
      %mul3A_294 = vector.broadcast %mul3A_293 : f32 to vector<16xf32>
      %mul3A_295 = arith.mulf %mul3A_294, %min3A_292 : vector<16xf32>
      %mul3A_296 = arith.mulf %mul3A_295, %mul3A_295 : vector<16xf32>
      %mul3A_297 = arith.constant 2.75573188E-6 : f32
      %mul3A_298 = vector.broadcast %mul3A_297 : f32 to vector<16xf32>
      %mul3A_299 = arith.mulf %mul3A_298, %mul3A_296 : vector<16xf32>
      %sub3A_300 = arith.constant 1.98412701E-4 : f32
      %sub3A_301 = vector.broadcast %sub3A_300 : f32 to vector<16xf32>
      %sub3A_302 = arith.subf %mul3A_299, %sub3A_301 : vector<16xf32>
      %mul3A_303 = arith.mulf %sub3A_302, %mul3A_296 : vector<16xf32>
      %add3A_304 = arith.constant 0.00833333377 : f32
      %add3A_305 = vector.broadcast %add3A_304 : f32 to vector<16xf32>
      %add3A_306 = arith.addf %mul3A_303, %add3A_305 : vector<16xf32>
      %mul3A_307 = arith.mulf %add3A_306, %mul3A_296 : vector<16xf32>
      %sub3A_308 = arith.constant 0.166666672 : f32
      %sub3A_309 = vector.broadcast %sub3A_308 : f32 to vector<16xf32>
      %sub3A_310 = arith.subf %mul3A_307, %sub3A_309 : vector<16xf32>
      %mul3A_311 = arith.mulf %sub3A_310, %mul3A_296 : vector<16xf32>
      %add3A_312 = arith.constant 1.000000e+00 : f32
      %add3A_313 = vector.broadcast %add3A_312 : f32 to vector<16xf32>
      %add3A_314 = arith.addf %mul3A_311, %add3A_313 : vector<16xf32>
      %mul3A_315 = arith.mulf %mul3A_295, %add3A_314 : vector<16xf32>
      %mul3A_316 = arith.mulf %convert_element_type3A_279, %mul3A_315 : vector<16xf32>
      %mul3A_317 = arith.mulf %abs3A_281, %mul3A_316 : vector<16xf32>
      %add3A_318 = arith.addf %add3A_236, %mul3A_317 : vector<16xf32>
      %mul3A_319 = arith.mulf %abs3A_283, %mul3A_316 : vector<16xf32>
      %add3A_320 = arith.addf %add3A_238, %mul3A_319 : vector<16xf32>
      %add3A_321 = arith.addf %add3A_239, %convert_element_type3A_279 : vector<16xf32>
      scf.yield %add3A_318, %add3A_320, %add3A_321 : vector<16xf32>, vector<16xf32>, vector<16xf32>
    }
    %scan3A_152 = arith.constant 125 : i32
    %swap3A = arith.constant 0 : index
    %swap3A_153 = tpu.vector_load %arg23[%swap3A] {strides = array<i32>} : memref<80xf32, #tpu.memory_space<vmem>>, vector<16xf32>,
    tpu.vector_store %arg23[%swap3A], %scan3A_151#0 {strides = array<i32>} : memref<80xf32, #tpu.memory_space<vmem>>, vector<16xf32>,
    %swap3A_154 = arith.constant 16 : index
    %swap3A_155 = tpu.vector_load %arg23[%swap3A_154] {strides = array<i32>} : memref<80xf32, #tpu.memory_space<vmem>>, vector<16xf32>,
    tpu.vector_store %arg23[%swap3A_154], %scan3A_151#1 {strides = array<i32>} : memref<80xf32, #tpu.memory_space<vmem>>, vector<16xf32>,
    %swap3A_156 = arith.constant 32 : index
    %swap3A_157 = tpu.vector_load %arg23[%swap3A_156] {strides = array<i32>} : memref<80xf32, #tpu.memory_space<vmem>>, vector<16xf32>,
    tpu.vector_store %arg23[%swap3A_156], %scan3A_151#2 {strides = array<i32>} : memref<80xf32, #tpu.memory_space<vmem>>, vector<16xf32>,
    %swap3A_158 = arith.constant 48 : index
    %swap3A_159 = tpu.vector_load %arg23[%swap3A_158] {strides = array<i32>} : memref<80xf32, #tpu.memory_space<vmem>>, vector<16xf32>,
    tpu.vector_store %arg23[%swap3A_158], %scan3A_143#0 {strides = array<i32>} : memref<80xf32, #tpu.memory_space<vmem>>, vector<16xf32>,
    %swap3A_160 = arith.constant 64 : index
    %swap3A_161 = tpu.vector_load %arg23[%swap3A_160] {strides = array<i32>} : memref<80xf32, #tpu.memory_space<vmem>>, vector<16xf32>,
    tpu.vector_store %arg23[%swap3A_160], %scan3A_143#1 {strides = array<i32>} : memref<80xf32, #tpu.memory_space<vmem>>, vector<16xf32>,
    %mul3A_162 = arith.constant 80 : i32
    %mul3A_163 = arith.muli %add3A, %mul3A_162 : i32
    "tpu.region"() ({
      %run_scoped3A = tpu.sem_alloc : memref<!tpu.dma_semaphore, #tpu.memory_space<semaphore_mem>>
      %dma_start3A_164 = tpu.memref_slice %arg11[%mul3A_163] : memref<2560xf32, #tpu.memory_space<hbm>> -> memref<80xf32, #tpu.memory_space<hbm>>
      %dma_start3A_165 = tpu.memref_slice %arg11[%mul3A_163] : memref<2560xf32, #tpu.memory_space<hbm>> -> memref<80xf32, #tpu.memory_space<hbm>>
      tpu.enqueue_dma source(%arg23 : memref<80xf32, #tpu.memory_space<vmem>>) target(%dma_start3A_165 : memref<80xf32, #tpu.memory_space<hbm>>) target_semaphore(%run_scoped3A : memref<!tpu.dma_semaphore, #tpu.memory_space<semaphore_mem>>)
      %dma_wait3A_166 = tpu.memref_slice %arg11[%mul3A_163] : memref<2560xf32, #tpu.memory_space<hbm>> -> memref<80xf32, #tpu.memory_space<hbm>>
      %dma_wait3A_167 = tpu.memref_slice %arg11[%mul3A_163] : memref<2560xf32, #tpu.memory_space<hbm>> -> memref<80xf32, #tpu.memory_space<hbm>>
      tpu.wait_dma2 semaphore(%run_scoped3A : memref<!tpu.dma_semaphore, #tpu.memory_space<semaphore_mem>>) src(%arg23 : memref<80xf32, #tpu.memory_space<vmem>>) dst(%dma_wait3A_167 : memref<80xf32, #tpu.memory_space<hbm>>)
      tpu.yield
    }) : () -> ()
    return
  }
}

</mosaic_0001>

<sc_bundles>
// kernel: kernel.3.cloned.1.call-start
scs
__scs_entry_jumppad:
0x0: {  	(pc) =	sbr.rel $0x88, $3  }
0x1: {  	(tag) =	ssettag $0x0;
	lr =	simm.s32 $0x1  }
0x2: {  	[smem:$0x3F98] =	sst lr;
	_ =	strace $0xD0000000  }
0x3: {  	_ = 	snop  }
0x4: {  	_ = 	snop  }
0x5: {  	_ = 	snop  }
0x6: {  	_ = 	snop  }
0x7: {  	_ = 	snop  }
__scs_overlays_trampoline_lowered:
0x8: {  	[smem:$0x3FA7] =	sst s0  }
0x9: {  	[smem:$0x3FA8] =	sst s1  }
0xa: {  	[smem:$0x3FA9] =	sst s2  }
0xb: {  	[smem:$0x3FAA] =	sst s3  }
0xc: {  	[smem:$0x3FAB] =	sst s4  }
0xd: {  	[smem:$0x3FAC] =	sst s5  }
0xe: {  	[smem:$0x3FAD] =	sst s6  }
0xf: {  	[smem:$0x3FAE] =	sst s7  }
0x10: {  	[smem:$0x3FAF] =	sst s8  }
0x11: {  	[smem:$0x3FB0] =	sst s9;
	s0 =	simm.s32 @!p0 $0x0  }
0x12: {  	s1 =	sld [smem:$0x3F96];
	s0 =	simm.s32 @p0 $0x1  }
0x13: {  	[smem:$0x3FB1] =	sst s0;
	s0 =	simm.s32 @!p1 $0x0  }
0x14: {  	s2 =	sld [smem:$0x3F95];
	s0 =	simm.s32 @p1 $0x1  }
0x15: {  	[smem:$0x3FB2] =	sst s0;
	s0 =	simm.s32 @!p2 $0x0  }
0x16: {  	s3 =	sld [smem:$0x3FDB];
	s0 =	simm.s32 @p2 $0x1  }
0x17: {  	s4 =	simm.s32 $0x1BF5;
	[smem:$0x3FB4] =	sst s0  }
0x18: {  	s0 =	sld [smem:$0x3F97];
	_ =	swait.ge [sflag:s4], $0x0  }
0x19: {  	s7 =	sld [smem:$0x3F98]  }
0x1a: {  	s8 =	sadd.s32 $0xFFFFE003, lr  }
0x1b: {  	s9 =	sadd.s32 $0xFFFFFEF7, lr;
	s5 =	simm.s32 $0xFFFFFFFF;
	p2 =	slt.u32 s8, $0xFFFFF086  }
0x1c: {  	p1 =	slt.u32 s9, $0xF7A;
	s5 =	simm.s32 @!p2 $0x0  }
0x1d: {  	s5 =	simm.s32 @p1 $0x1;
	p0 =	seq.s32 s7, s2  }
0x1e: {  	s7 =	smul.u32 @!p0 $0xF7A, s2;
	p2 =	seq.s32 @!p0 s5, $0x0  }
0x1f: {  	s9 =	smul.u32 $0xF7A, s1;
	s8 =	simm.s32 @!p0 $0x1BF5;
	p2 =	por !p2, p0  }
0x20: {  	[sflag:s8] =	ssyncset.s32 @!p0 $0xFFFFF086;
	s6 =	sadd.s32 @!p0 s3, s7;
	s7 =	simm.s32 @!p0 $0x108  }
0x21: {  	s3 =	sadd.s32 s3, s9;
	s6 =	sadd.s32 @!p0 $0x88, s6;
	s7 =	simm.s32 @p2 $0x1082  }
0x22: {  	[simem:s7], [sflag:s8] =	dma.local @!p0 [hbm:s6], $0xF7A  }
0x23: {  	s9 =	sor.u32 $0xD0000000, s2;
	s6 =	simm.s32 $0x108;
	_ =	swait.ge @!p0 [sflag:s8], $0x0  }
0x24: {  	s3 =	sadd.s32 $0x88, s3;
	s6 =	simm.s32 @!p1 $0x1082;
	[sflag:s4] =	ssyncset.s32 $0xFFFFF086  }
0x25: {  	[simem:s6], [sflag:s4] =	dma.local [hbm:s3], $0xF7A  }
0x26: {  	[smem:$0x3F98] =	sst s1;
	(tag) =	ssettag s2;
	_ =	strace s9  }
0x27: {  	s1 =	sld [smem:$0x3FA8]  }
0x28: {  	s2 =	sld [smem:$0x3FA9]  }
0x29: {  	s4 =	sld [smem:$0x3FAB]  }
0x2a: {  	p0 =	seq.s32 s5, $0x0;
	s5 =	sld [smem:$0x3FAC]  }
0x2b: {  	s6 =	sld [smem:$0x3FAD]  }
0x2c: {  	s7 =	sld [smem:$0x3FAE]  }
0x2d: {  	s3 =	simm.s32 $0x108;
	s8 =	sld [smem:$0x3FAF]  }
0x2e: {  	s3 =	simm.s32 @!p0 $0x1082;
	s9 =	sld [smem:$0x3FB0]  }
0x2f: {  	lr =	sadd.s32 s0, s3;
	s0 =	sld [smem:$0x3FA7]  }
0x30: {  	s3 =	sld [smem:$0x3FAA]  }
0x31: {  	[smem:$0x3FB3] =	sst s10  }
0x32: {  	s10 =	sld [smem:$0x3FB1];
	_ =	sdelay $0x3  }
0x33: {  	p0 =	seq.s32 s10, $0x1;
	s10 =	sld [smem:$0x3FB3];
	_ =	sdelay $0x3  }
0x34: {  	[smem:$0x3FB3] =	sst s10  }
0x35: {  	s10 =	sld [smem:$0x3FB2];
	_ =	sdelay $0x3  }
0x36: {  	p1 =	seq.s32 s10, $0x1;
	s10 =	sld [smem:$0x3FB3];
	_ =	sdelay $0x3  }
0x37: {  	[smem:$0x3FB3] =	sst s10  }
0x38: {  	s10 =	sld [smem:$0x3FB4]  }
0x39: {  	_ = 	snop;
	(pc) =	sbr.ind lr, $3  }
0x3a: {  	_ = 	snop  }
0x3b: {  	_ = 	snop  }
0x3c: {  	p2 =	seq.s32 s10, $0x1;
	s10 =	sld [smem:$0x3FB3]  }
0x3d: {  	_ =	shalt  }
0x3e: {  	_ =	shalt  }
0x3f: {  	_ =	shalt  }
0x40: {  	_ =	shalt  }
0x41: {  	_ =	shalt  }
0x42: {  	_ =	shalt  }
0x43: {  	_ =	shalt  }
0x44: {  	_ =	shalt  }
0x45: {  	_ =	shalt  }
0x46: {  	_ =	shalt  }
0x47: {  	_ =	shalt  }
0x48: {  	_ =	shalt  }
0x49: {  	_ =	shalt  }
0x4a: {  	_ =	shalt  }
0x4b: {  	_ =	shalt  }
0x4c: {  	_ =	shalt  }
0x4d: {  	_ =	shalt  }
0x4e: {  	_ =	shalt  }
0x4f: {  	_ =	shalt  }
0x50: {  	_ =	shalt  }
0x51: {  	_ =	shalt  }
0x52: {  	_ =	shalt  }
0x53: {  	_ =	shalt  }
0x54: {  	_ =	shalt  }
0x55: {  	_ =	shalt  }
0x56: {  	_ =	shalt  }
0x57: {  	_ =	shalt  }
0x58: {  	_ =	shalt  }
0x59: {  	_ =	shalt  }
0x5a: {  	_ =	shalt  }
0x5b: {  	_ =	shalt  }
0x5c: {  	_ =	shalt  }
0x5d: {  	_ =	shalt  }
0x5e: {  	_ =	shalt  }
0x5f: {  	_ =	shalt  }
0x60: {  	_ =	shalt  }
0x61: {  	_ =	shalt  }
0x62: {  	_ =	shalt  }
0x63: {  	_ =	shalt  }
0x64: {  	_ =	shalt  }
0x65: {  	_ =	shalt  }
0x66: {  	_ =	shalt  }
0x67: {  	_ =	shalt  }
0x68: {  	_ =	shalt  }
0x69: {  	_ =	shalt  }
0x6a: {  	_ =	shalt  }
0x6b: {  	_ =	shalt  }
0x6c: {  	_ =	shalt  }
0x6d: {  	_ =	shalt  }
0x6e: {  	_ =	shalt  }
0x6f: {  	_ =	shalt  }
0x70: {  	_ =	shalt  }
0x71: {  	_ =	shalt  }
0x72: {  	_ =	shalt  }
0x73: {  	_ =	shalt  }
0x74: {  	_ =	shalt  }
0x75: {  	_ =	shalt  }
0x76: {  	_ =	shalt  }
0x77: {  	_ =	shalt  }
0x78: {  	_ =	shalt  }
0x79: {  	_ =	shalt  }
0x7a: {  	_ =	shalt  }
0x7b: {  	_ =	shalt  }
0x7c: {  	_ =	shalt  }
0x7d: {  	_ =	shalt  }
0x7e: {  	_ =	shalt  }
0x7f: {  	_ =	shalt  }
0x80: {  	_ =	shalt  }
0x81: {  	_ =	shalt  }
0x82: {  	_ =	shalt  }
0x83: {  	_ =	shalt  }
0x84: {  	_ =	shalt  }
0x85: {  	_ =	shalt  }
0x86: {  	_ =	shalt  }
0x87: {  	_ =	shalt  }
.Lfunc_end0:
.L_simem_size_0:
called_computation_lowered:
.L_overlay_start_0:
0x88: {  	s2 =	sld [smem:$0x3FD9]  }
0x89: {  	s3 =	sld [smem:$0x3FFE];
	_ =	sdelay $0x1  }
0x8a: {  	s1 =	srdreg.scid  }
0x8b: {  	s0 =	sand.u32 $0x1, s1  }
0x8c: {  	s17 =	sshll.u32 s0, $0xA;
	s2 =	sadd.s32 s3, s2  }
0x8d: {  	s2 =	sadd.s32 s2, s17  }
0x8e: {  	[smem:$0x3FBF] =	sst s2  }
0x8f: {  	_ = 	snop  }
0x90: {  	s2 =	sld [smem:$0x3FC9]  }
0x91: {  	s18 =	sld [smem:$0x3FC8]  }
0x92: {  	s4 =	sld [smem:$0x3FC7]  }
0x93: {  	s5 =	sld [smem:$0x3FC6]  }
0x94: {  	s6 =	sld [smem:$0x3FC5]  }
0x95: {  	s7 =	sld [smem:$0x3FC4]  }
0x96: {  	s8 =	sld [smem:$0x3FC3]  }
0x97: {  	s9 =	sld [smem:$0x3FC2]  }
0x98: {  	s10 =	sld [smem:$0x3FC1];
	(tm) =	ssettm $0x1  }
0x99: {  	s11 =	sld [smem:$0x3FFB];
	_ =	sdelay $0x3  }
0x9a: {  	_ =	strace s11  }
0x9b: {  	s11 =	sld [smem:$0x3FFC];
	_ =	sdelay $0x3  }
0x9c: {  	_ =	strace s11  }
0x9d: {  	s11 =	sld [smem:$0x3FFD];
	_ =	sdelay $0x3  }
0x9e: {  	_ =	strace s11  }
0x9f: {  	_ =	strace $0x8FFFFFFF  }
0xa0: {  	s19 =	sld [smem:$0x3FDB];
	_ =	sdelay $0x1  }
0xa1: {  	s12 =	simm.s32 $_scs_section_size  }
0xa2: {  	s13 =	simm.s32 $_size__tile_overlayer_lowered;
	s14 =	simm.s32 $_tile_overlayer_lowered  }
0xa3: {  	s22 =	simm.s32 $0x1BFF;
	s21 =	sshll.u32 s14, $0x1;
	s11 =	sadd.s32 s12, s19  }
0xa4: {  	s15 =	simm.s32 $0x0;
	s20 =	sshll.u32 s13, $0x1;
	s13 =	sadd.s32 s21, s11  }
0xa5: {  	[timem:s15], [sflag:s22] =	dma.local [hbm:s13], s20  }
0xa6: {  	_ =	swait.ge [sflag:s22], s20  }
0xa7: {  	s12 =	ssub.s32 $0x0, s20;
	[sflag:s22] =	ssyncset.done $0x0  }
0xa8: {  	[sflag:s22] =	ssyncadd.s32 s12;
	_ =	sdelay $0x1  }
0xa9: {  	s23 =	simm.s32 $0x1B8B  }
0xaa: {  	_ =	swait.ge [sflag:s23], $0x1  }
0xab: {  	[sflag:s23] =	ssyncset.done $0x0  }
0xac: {  	s25 =	simm.s32 $0x1B8E;
	s24 =	sld [smem:$0x3FFE];
	[sflag:s23] =	ssyncadd.s32 $0xFFFFFFFF  }
0xad: {  	s26 =	simm.s32 $execute0_lowered;
	[smem:$0x3FD2] =	sst s25  }
0xae: {  	s13 =	sshll.u32 s26, $0x1;
	_ =	strace $0x80000046;
	[dreg:$0x1] =	wrdreg $0xFFFFFFFF  }
0xaf: {  	s28 =	simm.s32 $_size_execute0_lowered;
	s11 =	sadd.s32 s11, s13;
	[dreg:$0x0] =	wrdreg $0x0  }
0xb0: {  	s13 =	sshll.u32 s28, $0x1;
	[dreg:$0x2] =	wrdreg s11  }
0xb1: {  	[dreg:$0x3] =	wrdreg s13  }
0xb2: {  	[dreg:$0x4] =	wrdreg $0xC0  }
0xb3: {  	_ =	task [dreg:s15], $0x5FFFF  }
0xb4: {  	[dreg:$0x1] =	wrdreg $0xFFFFFFFF  }
0xb5: {  	[dreg:$0x0] =	wrdreg $0x60  }
0xb6: {  	[dreg:$0x2] =	wrdreg s2  }
0xb7: {  	[dreg:$0x3] =	wrdreg s18  }
0xb8: {  	[dreg:$0x4] =	wrdreg s4  }
0xb9: {  	[dreg:$0x5] =	wrdreg s5  }
0xba: {  	[dreg:$0x6] =	wrdreg s6  }
0xbb: {  	[dreg:$0x7] =	wrdreg s7  }
0xbc: {  	[dreg:$0x8] =	wrdreg s8  }
0xbd: {  	[dreg:$0x9] =	wrdreg s9  }
0xbe: {  	[dreg:$0xa] =	wrdreg s10  }
0xbf: {  	[dreg:$0xb] =	wrdreg s24  }
0xc0: {  	[dreg:$0xc] =	wrdreg $0x9  }
0xc1: {  	_ =	task.clear_ibuf [dreg:s15], $0xDFFFF;
	_ =	strace $0x90000046  }
0xc2: {  	s29 =	simm.s32 $0x9;
	_ =	strace $0x80000048  }
0xc3: {  	_ =	swait.ge [sflag:s29], $0x1  }
0xc4: {  	[sflag:s29] =	ssyncadd.s32 $0xFFFFFFFF  }
0xc5: {  	_ =	strace $0x90000048  }
0xc6: {  	_ =	sfence  }
0xc7: {  	s30 =	sld [smem:$0x0];
	_ =	sdelay $0x2  }
0xc8: {  	s31 =	sshll.u32 s1, $0xD;
	s1 =	sshrl.u32 s1, $0x2  }
0xc9: {  	s3 =	sand.u32 $0x4000, s31;
	s1 =	sadd.s32 s1, s30  }
0xca: {  	s0 =	sor.u32 s3, s0;
	s1 =	sshll.u32 s1, $0x11  }
0xcb: {  	s0 =	sor.u32 s1, s0  }
0xcc: {  	s0 =	sadd.s32 $0x8F2B, s0  }
0xcd: {  	[sflag:s0] =	ssyncadd.remote.s32 $0x1  }
0xce: {  	_ =	sfence.sel $0xFFFF  }
0xcf: {  	[dreg:$0x0] =	wrdreg $0xFFFFFFFF;
	(pc) =	sbr.abs _section_cstart, $3  }
0xd0: {  	[dreg:$0x1] =	wrdreg $0xFFFFFFFF  }
0xd1: {  	_ =	task.clear_ibuf [dreg:s15], $0x2FFFF;
	_ =	strace $0x9FFFFFFF  }
0xd2: {  	(tm) =	ssettm $0x7FFFFFFF  }
0xd3: {  	_ =	shalt  }
tec
execute0_lowered:
.L_overlay_start_1:
0x0: {  	(tag) =	ssettag $0x1  }
0x1: {  	s0 =	rddreg [dreg:$0x1]  }
0x2: {  	s2 =	rddreg [dreg:$0x2]  }
0x3: {  	s3 =	rddreg [dreg:$0x3]  }
0x4: {  	s1 =	rddreg [dreg:$0x4]  }
0x5: {  	s6 =	rddreg [dreg:$0x5]  }
0x6: {  	s8 =	rddreg [dreg:$0x6]  }
0x7: {  	s10 =	rddreg [dreg:$0x7]  }
0x8: {  	s11 =	rddreg [dreg:$0x8];
	s4 =	srdreg.scid  }
0x9: {  	s13 =	stileid.u32;
	s5 =	rddreg [dreg:$0x9]  }
0xa: {  	s18 =	simm.s32 $0x1800;
	s19 =	simm.s32 $0x1C00;
	s20 =	simm.s32 $0x3C00  }
0xb: {  	s30 =	simm.s32 $0x5;
	s31 =	simm.s32 $0x2;
	s7 =	sand.u32 $0x1, s4  }
0xc: {  	s9 =	sshll.u32 s13, $0x1;
	s4 =	simm.s32 $0x0;
	s13 =	sshrl.u32 s13, $0x2  }
0xd: {  	s12 =	sor.u32 s7, s9;
	[smem:$0x7FF] =	sst s4;
	s22 =	sshll.u32 s13, $0xC  }
0xe: {  	s7 =	ssub.s32 $0x2, s7;
	s23 =	sshll.u32 s13, $0xD;
	s25 =	sshll.u32 s13, $0xE  }
0xf: {  	s9 =	smul.u32 $0xA, s12;
	_ =	strace $0x80000047;
	s14 =	sshll.u32 s12, $0x7  }
0x10: {  	s16 =	sshrl.u32 s7, $0x1;
	s26 =	sshll.u32 s12, $0x9;
	s28 =	sshll.u32 s12, $0xA  }
0x11: {  	s29 =	sshll.u32 s12, $0x13;
	s21 =	sand.u32 $0x380, s14;
	s16 =	ssub.s32 s7, s16  }
0x12: {  	s10 =	sadd.s32 s10, s28;
	s15 =	sadd.s32 s9, s5;
	s5 =	sor.u32 s22, s21  }
0x13: {  	s14 =	sor.u32 s23, s21;
	s9 =	sadd.s32 s3, s26;
	s13 =	smax.u32 s16, $0x1  }
0x14: {  	s16 =	simm.s32 $0x1400;
	s22 =	simm.s32 $0xFA0;
	s3 =	simm.s32 $0x1  }
0x15: {  	s23 =	simm.s32 $0x6;
	s17 =	sshrl.u32 s5, $0x3;
	s24 =	sshrl.u32 s14, $0x3  }
0x16: {  	v0 =	vlaneseq.u32;
	s12 =	sadd.s32 $0x200, s15;
	s14 =	simm.s32 $0x80;
	s15 =	simm.s32 $0x400  }
0x17: {  	v3 =	vand.u32 $0x7, v0;
	s5 =	sadd.s32 s0, s17;
	s6 =	sadd.s32 s6, s24;
	s7 =	sadd.s32 s2, s17  }
0x18: {  	v2 =	vmul.u32 $0x10000, v3;
	s8 =	sadd.s32 s8, s24;
	s2 =	sor.u32 s25, s21;
	s17 =	simm.s32 $0x200  }
0x19: {  	v1 =	vand.u32 $0x1, v0;
	s21 =	simm.s32 $0x3;
	s25 =	simm.s32 $0x4;
	s2 =	sshrl.u32 s2, $0x3  }
0x1a: {  	v3 =	vmul.u32 $0x80, v3;
	v4 =	vmul.u32 $0x80, v1;
	v2 =	vor.u32 s29, v2;
	s24 =	simm.s32 $0x0;
	s11 =	sadd.s32 s11, s2;
	s2 =	simm.s32 $0x8380  }
.LBB2_1:
0x1b: {  	[tilespmem:s4], [sflag:$0x3] =	stream.strided.gather [hbm4b:s5+s14], $0x200, s15, s14, $0x38;
	[tilespmem:$0xA380] =	vst v63  }
0x1c: {  	_ = 	snop  }
0x1d: {  	[tilespmem:s16], [sflag:$0x4] =	stream.strided.gather [hbm4b:s6+s14], $0x400, s15, s14, $0x38;
	[tilespmem:$0xA380] =	vst v63  }
0x1e: {  	_ = 	snop  }
0x1f: {  	[tilespmem:s17], [sflag:$0x5] =	stream.strided.gather [hbm4b:s7+s14], $0x200, s15, s14, $0x38;
	[tilespmem:$0xA380] =	vst v63  }
0x20: {  	_ = 	snop  }
0x21: {  	[tilespmem:s18], [sflag:$0x5] =	stream.strided.gather [hbm4b:s8+s14], $0x400, s15, s14, $0x38;
	[tilespmem:$0xA380] =	vst v63  }
0x22: {  	_ = 	snop  }
0x23: {  	[tilespmem:s15], [sflag:$0x5] =	stream.linear.gather [hbm4b:s9+s4], $0x1000, $0x38;
	[tilespmem:$0xA380] =	vst v63  }
0x24: {  	s26 =	simm.s32 $0x0  }
0x25: {  	v5 =	vor.u32 s26, v0;
	[tilespmem:s19], [sflag:$0x5] =	stream.linear.gather [hbm4b:s10+s4], $0x2000, $0x38;
	[tilespmem:$0xA380] =	vst v63  }
0x26: {  	v5 =	vshrl.u32 v5, $0x3  }
0x27: {  	[tilespmem:s20], [sflag:$0x5] =	stream.strided.gather [hbm4b:s11+s14], $0x800, s15, s14, $0x38;
	[tilespmem:$0xA380] =	vst v63  }
0x28: {  	_ =	swait.ge [sflag:s21], $0x200  }
0x29: {  	[sflag:s21] =	ssyncset.done $0x0  }
0x2a: {  	[sflag:s21] =	ssyncadd.s32 $0xFFFFFE00  }
0x2b: {  	v5 =	vld.idx.msk [tilespmem:v5+s4+$0x0], $0xffff;
	_ =	sdelay $0x2  }
0x2c: {  	s0 =	simm.s32 $0x10  }
0x2d: {  	v6 =	vor.u32 s0, v0  }
0x2e: {  	v6 =	vshrl.u32 v6, $0x3;
	v7 =	vand.u32 $0xFFFFF800, v5  }
0x2f: {  	v8 =	vshll.u32 v5, $0x3;
	v9 =	vand.u32 $0x7F, v5;
	v7 =	vadd.s32 v2, v7  }
0x30: {  	v5 =	vshrl.u32 v5, $0x1;
	v8 =	vand.u32 $0x400, v8;
	v7 =	vor.u32 v9, v7  }
0x31: {  	v5 =	vand.u32 $0x380, v5;
	v7 =	vor.u32 v8, v7  }
0x32: {  	s26 =	simm.s32 $0x4410;
	v5 =	vor.u32 v5, v7  }
0x33: {  	[tilespmem:s26+$0xFFFFFFF0] =	vst v5  }
0x34: {  	v5 =	vld.idx.msk [tilespmem:v6+s4+$0x0], $0xffff;
	_ =	sdelay $0x2  }
0x35: {  	s29 =	simm.s32 $0x20  }
0x36: {  	s28 =	simm.s32 $0x30;
	v6 =	vor.u32 s29, v0;
	s29 =	simm.s32 $0x50  }
.LBB2_2:
0x37: {  	p0 =	sne.s32 s29, $0xF90;
	v6 =	vshrl.u32 v6, $0x3;
	v7 =	vand.u32 $0xFFFFF800, v5  }
0x38: {  	v8 =	vshll.u32 v5, $0x3;
	v9 =	vand.u32 $0x7F, v5;
	v7 =	vadd.s32 v2, v7  }
0x39: {  	v5 =	vshrl.u32 v5, $0x1;
	v8 =	vand.u32 $0x400, v8;
	v7 =	vor.u32 v9, v7  }
0x3a: {  	v5 =	vand.u32 $0x380, v5;
	v7 =	vor.u32 v8, v7  }
0x3b: {  	v5 =	vor.u32 v5, v7  }
0x3c: {  	[tilespmem:s26+$0x0] =	vst v5  }
0x3d: {  	v5 =	vld.idx.msk [tilespmem:v6+s4+$0x0], $0xffff;
	_ =	sdelay $0x4  }
0x3e: {  	v6 =	vor.u32 s28, v0;
	s28 =	smov.u32 s29  }
0x3f: {  	v6 =	vshrl.u32 v6, $0x3;
	v7 =	vand.u32 $0xFFFFF800, v5  }
0x40: {  	v8 =	vshll.u32 v5, $0x3;
	v9 =	vand.u32 $0x7F, v5;
	v7 =	vadd.s32 v2, v7  }
0x41: {  	v5 =	vshrl.u32 v5, $0x1;
	v8 =	vand.u32 $0x400, v8;
	v7 =	vor.u32 v9, v7  }
0x42: {  	v5 =	vand.u32 $0x380, v5;
	v7 =	vor.u32 v8, v7  }
0x43: {  	s26 =	sadd.s32 $0x20, s26;
	v5 =	vor.u32 v5, v7  }
0x44: {  	[tilespmem:s26+$0xFFFFFFF0] =	vst v5  }
0x45: {  	v5 =	vld.idx.msk [tilespmem:v6+s4+$0x0], $0xffff  }
.Ltmp0:
0x46: {  	(pc) =	sbr.rel @p0 .LBB2_2-.Ltmp0, $3  }
0x47: {  	_ =	sdelay $0x1  }
0x48: {  	s0 =	sadd.s32 $0xFFFFFFF0, s29  }
0x49: {  	s29 =	sadd.s32 $0x20, s29;
	v6 =	vor.u32 s0, v0  }
0x4a: {  	v6 =	vshrl.u32 v6, $0x3;
	v7 =	vand.u32 $0xFFFFF800, v5  }
0x4b: {  	v8 =	vshll.u32 v5, $0x3;
	v9 =	vand.u32 $0x7F, v5;
	v7 =	vadd.s32 v2, v7  }
0x4c: {  	v5 =	vshrl.u32 v5, $0x1;
	v8 =	vand.u32 $0x400, v8;
	v7 =	vor.u32 v9, v7  }
0x4d: {  	v5 =	vand.u32 $0x380, v5;
	v7 =	vor.u32 v8, v7  }
0x4e: {  	v5 =	vor.u32 v5, v7  }
0x4f: {  	[tilespmem:s26+$0x0] =	vst v5  }
0x50: {  	v5 =	vld.idx.msk [tilespmem:v6+s4+$0x0], $0xffff;
	_ =	sdelay $0x3  }
0x51: {  	v6 =	vor.u32 s28, v0  }
0x52: {  	v6 =	vshrl.u32 v6, $0x3;
	v7 =	vand.u32 $0xFFFFF800, v5  }
0x53: {  	v8 =	vshll.u32 v5, $0x3;
	v62 =	vand.u32 $0x7F, v5;
	v7 =	vadd.s32 v2, v7  }
0x54: {  	v5 =	vshrl.u32 v5, $0x1;
	v8 =	vand.u32 $0x400, v8;
	v7 =	vor.u32 v62, v7  }
0x55: {  	v5 =	vand.u32 $0x380, v5;
	v7 =	vor.u32 v8, v7  }
0x56: {  	s0 =	sadd.s32 $0x20, s26;
	v5 =	vor.u32 v5, v7  }
0x57: {  	[tilespmem:s0+$0xFFFFFFF0] =	vst v5  }
0x58: {  	v5 =	vld.idx.msk [tilespmem:v6+s4+$0x0], $0xffff;
	_ =	sdelay $0x4  }
0x59: {  	v6 =	vand.u32 $0xFFFFF800, v5  }
0x5a: {  	v7 =	vshll.u32 v5, $0x3;
	v8 =	vand.u32 $0x7F, v5;
	v6 =	vadd.s32 v2, v6  }
0x5b: {  	v5 =	vshrl.u32 v5, $0x1;
	v7 =	vand.u32 $0x400, v7;
	v6 =	vor.u32 v8, v6  }
0x5c: {  	s26 =	simm.s32 $0x0;
	v5 =	vand.u32 $0x380, v5;
	v6 =	vor.u32 v7, v6  }
0x5d: {  	v5 =	vor.u32 v5, v6;
	v6 =	vor.u32 s26, v0  }
0x5e: {  	s28 =	simm.s32 $0x7380;
	s26 =	simm.s32 $0x4400;
	[tilespmem:s0+$0x0] =	vst v5;
	v5 =	vshrl.u32 v6, $0x3;
	s0 =	rddreg [dreg:$0x0]  }
0x5f: {  	[tilespmem:s28], [sflag:$0x1] =	stream.indirect.gather [hbm4b:s0+s22], $0x1, s26, s22, $0xb8;
	[tilespmem:$0xA380] =	vst v63  }
0x60: {  	_ =	swait.ge [sflag:s25], $0x400  }
0x61: {  	[sflag:s25] =	ssyncset.done $0x0  }
0x62: {  	[sflag:s25] =	ssyncadd.s32 $0xFFFFFC00  }
0x63: {  	v5 =	vld.idx.msk [tilespmem:v5+s16+$0x0], $0xffff;
	_ =	sdelay $0x2  }
0x64: {  	s26 =	simm.s32 $0x10  }
0x65: {  	v6 =	vor.u32 s26, v0  }
0x66: {  	v6 =	vshrl.u32 v6, $0x3;
	v7 =	vand.u32 $0xFFFFF800, v5  }
0x67: {  	v8 =	vshll.u32 v5, $0x3;
	v63 =	vand.u32 $0x7F, v5;
	v7 =	vadd.s32 v2, v7  }
0x68: {  	v5 =	vshrl.u32 v5, $0x1;
	v8 =	vand.u32 $0x400, v8;
	v7 =	vor.u32 v63, v7  }
0x69: {  	v5 =	vand.u32 $0x380, v5;
	v7 =	vor.u32 v8, v7  }
0x6a: {  	s26 =	simm.s32 $0x5410;
	v5 =	vor.u32 v5, v7  }
0x6b: {  	[tilespmem:s26+$0xFFFFFFF0] =	vst v5  }
0x6c: {  	v5 =	vld.idx.msk [tilespmem:v6+s16+$0x0], $0xffff;
	_ =	sdelay $0x2  }
0x6d: {  	s0 =	simm.s32 $0x20  }
0x6e: {  	s29 =	simm.s32 $0x50;
	s28 =	simm.s32 $0x30;
	v6 =	vor.u32 s0, v0  }
.LBB2_4:
0x6f: {  	p0 =	sne.s32 s29, $0x1F30;
	v6 =	vshrl.u32 v6, $0x3;
	v7 =	vand.u32 $0xFFFFF800, v5  }
0x70: {  	v8 =	vshll.u32 v5, $0x3;
	v9 =	vand.u32 $0x7F, v5;
	v7 =	vadd.s32 v2, v7  }
0x71: {  	v5 =	vshrl.u32 v5, $0x1;
	v8 =	vand.u32 $0x400, v8;
	v7 =	vor.u32 v9, v7  }
0x72: {  	v5 =	vand.u32 $0x380, v5;
	v7 =	vor.u32 v8, v7  }
0x73: {  	v5 =	vor.u32 v5, v7  }
0x74: {  	[tilespmem:s26+$0x0] =	vst v5  }
0x75: {  	v5 =	vld.idx.msk [tilespmem:v6+s16+$0x0], $0xffff;
	_ =	sdelay $0x4  }
0x76: {  	v6 =	vor.u32 s28, v0;
	s28 =	smov.u32 s29  }
0x77: {  	v6 =	vshrl.u32 v6, $0x3;
	v7 =	vand.u32 $0xFFFFF800, v5  }
0x78: {  	v8 =	vshll.u32 v5, $0x3;
	v9 =	vand.u32 $0x7F, v5;
	v7 =	vadd.s32 v2, v7  }
0x79: {  	v5 =	vshrl.u32 v5, $0x1;
	v8 =	vand.u32 $0x400, v8;
	v7 =	vor.u32 v9, v7  }
0x7a: {  	v5 =	vand.u32 $0x380, v5;
	v7 =	vor.u32 v8, v7  }
0x7b: {  	s26 =	sadd.s32 $0x20, s26;
	v5 =	vor.u32 v5, v7  }
0x7c: {  	[tilespmem:s26+$0xFFFFFFF0] =	vst v5  }
0x7d: {  	v5 =	vld.idx.msk [tilespmem:v6+s16+$0x0], $0xffff  }
.Ltmp1:
0x7e: {  	(pc) =	sbr.rel @p0 .LBB2_4-.Ltmp1, $3  }
0x7f: {  	_ =	sdelay $0x1  }
0x80: {  	s0 =	sadd.s32 $0xFFFFFFF0, s29  }
0x81: {  	s29 =	sadd.s32 $0x20, s29;
	v6 =	vor.u32 s0, v0  }
0x82: {  	v6 =	vshrl.u32 v6, $0x3;
	v7 =	vand.u32 $0xFFFFF800, v5  }
0x83: {  	v8 =	vshll.u32 v5, $0x3;
	v9 =	vand.u32 $0x7F, v5;
	v7 =	vadd.s32 v2, v7  }
0x84: {  	v5 =	vshrl.u32 v5, $0x1;
	v8 =	vand.u32 $0x400, v8;
	v7 =	vor.u32 v9, v7  }
0x85: {  	v5 =	vand.u32 $0x380, v5;
	v7 =	vor.u32 v8, v7  }
0x86: {  	v5 =	vor.u32 v5, v7  }
0x87: {  	[tilespmem:s26+$0x0] =	vst v5  }
0x88: {  	v5 =	vld.idx.msk [tilespmem:v6+s16+$0x0], $0xffff;
	_ =	sdelay $0x3  }
0x89: {  	v6 =	vor.u32 s28, v0  }
0x8a: {  	v6 =	vshrl.u32 v6, $0x3;
	v7 =	vand.u32 $0xFFFFF800, v5  }
0x8b: {  	v8 =	vshll.u32 v5, $0x3;
	v9 =	vand.u32 $0x7F, v5;
	v7 =	vadd.s32 v2, v7  }
0x8c: {  	v5 =	vshrl.u32 v5, $0x1;
	v8 =	vand.u32 $0x400, v8;
	v7 =	vor.u32 v9, v7  }
0x8d: {  	v5 =	vand.u32 $0x380, v5;
	v7 =	vor.u32 v8, v7  }
0x8e: {  	s0 =	sadd.s32 $0x20, s26;
	v5 =	vor.u32 v5, v7  }
0x8f: {  	[tilespmem:s0+$0xFFFFFFF0] =	vst v5  }
0x90: {  	v5 =	vld.idx.msk [tilespmem:v6+s16+$0x0], $0xffff;
	_ =	sdelay $0x4  }
0x91: {  	v6 =	vand.u32 $0xFFFFF800, v5  }
0x92: {  	v7 =	vshll.u32 v5, $0x3;
	v8 =	vand.u32 $0x7F, v5;
	v6 =	vadd.s32 v2, v6  }
0x93: {  	v5 =	vshrl.u32 v5, $0x1;
	v7 =	vand.u32 $0x400, v7;
	v6 =	vor.u32 v8, v6  }
0x94: {  	v5 =	vand.u32 $0x380, v5;
	v6 =	vor.u32 v7, v6  }
0x95: {  	v5 =	vor.u32 v5, v6  }
0x96: {  	s29 =	simm.s32 $0x5400;
	[tilespmem:s0+$0x0] =	vst v5;
	s0 =	simm.s32 $0x8380  }
0x97: {  	[tilespmem:s0], [sflag:$0x2] =	stream.indirect.gather [hbm4b:s1+s22], $0x1, s29, s22, $0xb8;
	[tilespmem:$0xA380] =	vst v63  }
0x98: {  	s28 =	simm.s32 $0x9320;
	s29 =	simm.s32 $0x63A0  }
0x99: {  	[tilespmem:s28], [sflag:$0x4] =	stream.indirect.gather [hbm4b:s1+s22], $0x1, s29, s22, $0xb8;
	[tilespmem:$0xA380] =	vst v63  }
0x9a: {  	_ =	swait.ge [sflag:s30], $0x200  }
0x9b: {  	[sflag:s30] =	ssyncset.done $0x0  }
0x9c: {  	[sflag:s30] =	ssyncadd.s32 $0xFFFFFE00  }
0x9d: {  	_ =	swait.ge [sflag:s30], $0x400  }
0x9e: {  	[sflag:s30] =	ssyncset.done $0x0  }
0x9f: {  	[sflag:s30] =	ssyncadd.s32 $0xFFFFFC00  }
0xa0: {  	_ =	swait.ge [sflag:s30], $0x1000  }
0xa1: {  	[sflag:s30] =	ssyncset.done $0x0  }
0xa2: {  	[sflag:s30] =	ssyncadd.s32 $0xFFFFF000  }
0xa3: {  	s29 =	simm.s32 $0x0;
	_ =	swait.ge [sflag:s30], $0x2000  }
0xa4: {  	v5 =	vor.u32 s29, v0;
	[sflag:s30] =	ssyncset.done $0x0  }
0xa5: {  	v6 =	vmov s29;
	v5 =	vshrl.u32 v5, $0x3;
	[sflag:s30] =	ssyncadd.s32 $0xFFFFE000  }
0xa6: {  	v6 =	vand.u32 $0xC00, v6;
	v7 =	vand.u32 $0x7F, v5;
	_ =	swait.ge [sflag:s30], $0x800  }
0xa7: {  	v6 =	vor.u32 v7, v6;
	[sflag:s30] =	ssyncset.done $0x0  }
0xa8: {  	v6 =	vor.u32 v3, v6;
	[sflag:s30] =	ssyncadd.s32 $0xFFFFF800  }
0xa9: {  	s29 =	simm.s32 $0x10;
	_ =	swait.ge [sflag:s31], $0xFA0  }
0xaa: {  	v7 =	vor.u32 s29, v0;
	[sflag:s31] =	ssyncset.done $0x0  }
0xab: {  	v8 =	vmov s29;
	v7 =	vshrl.u32 v7, $0x3;
	[sflag:s31] =	ssyncadd.s32 $0xFFFFF060  }
0xac: {  	v8 =	vand.u32 $0xC00, v8;
	v9 =	vand.u32 $0x7F, v7;
	v5 =	vld.idx.msk [tilespmem:v5+s18+$0x0], $0xffff  }
0xad: {  	v8 =	vor.u32 v9, v8;
	v6 =	vld.idx.msk [tilespmem:v6+s19+$0x0], $0xffff  }
0xae: {  	v11 =	vor.u32 v3, v8;
	v10 =	vld [tilespmem:s0+$0x0]  }
0xaf: {  	s29 =	simm.s32 $0x20  }
0xb0: {  	v8 =	vor.u32 s29, v0  }
0xb1: {  	v9 =	vmov s29;
	v8 =	vshrl.u32 v8, $0x3;
	v12 =	vcvt.s32.f32 v5  }
0xb2: {  	v13 =	vand.u32 $0xC00, v9;
	v9 =	vld.idx.msk [tilespmem:v7+s18+$0x0], $0xffff;
	v5 =	vand.u32 $0x7F, v8  }
0xb3: {  	s26 =	simm.s32 $0x8390;
	v7 =	vld.idx.msk [tilespmem:v11+s19+$0x0], $0xffff;
	v15 =	vsub.f32 v10, v6;
	v13 =	vor.u32 v5, v13;
	v14 =	vsub.f32 $1.000000000e+00, v12  }
0xb4: {  	v11 =	vld [tilespmem:s26+$0x0];
	vm0 =	veq.f32 v6, $0.0e+00;
	v6 =	vimm.f32 $0.0e+00;
	v10 =	vor.u32 v3, v13  }
0xb5: {  	s28 =	simm.s32 $0x30;
	v5 =	vimm.f32 $0.0e+00;
	v13 =	vand.u32 $0x7FFFFFFF, v15;
	v12 =	vsel vm0, v12, v14  }
.LBB2_6:
0xb6: {  	v14 =	vor.u32 s28, v0;
	p0 =	sne.s32 s28, $0xF90;
	v13 =	vmul.f32 v12, v13;
	v5 =	vadd.f32 v12, v5;
	s0 =	smov.u32 s28;
	s28 =	sadd.s32 $0x10, s28  }
.Ltmp2:
0xb7: {  	v15 =	vcvt.s32.f32 v9;
	v12 =	vmov s0;
	v9 =	vld.idx.msk [tilespmem:v8+s18+$0x0], $0xffff;
	v8 =	vshrl.u32 v14, $0x3;
	(pc) =	sbr.rel @p0 .LBB2_6-.Ltmp2, $4  }
0xb8: {  	v14 =	vand.u32 $0x7F, v8;
	v12 =	vand.u32 $0xC00, v12;
	v6 =	vadd.f32 v13, v6  }
0xb9: {  	s26 =	sadd.s32 $0x10, s26;
	v13 =	vsub.f32 $1.000000000e+00, v15;
	v16 =	vmovc v7;
	v12 =	vor.u32 v14, v12;
	v14 =	vsub.f32 v11, v7;
	v7 =	vld.idx.msk [tilespmem:v10+s19+$0x0], $0xffff  }
0xba: {  	vm0 =	veq.f32 v16, $0.0e+00;
	v10 =	vor.u32 v3, v12;
	v11 =	vld [tilespmem:s26+$0x0]  }
0xbb: {  	v12 =	vsel vm0, v15, v13;
	v13 =	vand.u32 $0x7FFFFFFF, v14  }
0xbc: {  	_ =	sdelay $0x1  }
0xbd: {  	s0 =	simm.s32 $0xFA0;
	v9 =	vcvt.s32.f32 v9  }
0xbe: {  	v5 =	vadd.f32 v12, v5;
	v14 =	vor.u32 s0, v0;
	v15 =	vmov s0  }
0xbf: {  	v8 =	vld.idx.msk [tilespmem:v8+s18+$0x0], $0xffff;
	v14 =	vshrl.u32 v14, $0x3;
	v15 =	vand.u32 $0x1C00, v15;
	v60 =	vsub.f32 $1.000000000e+00, v9  }
0xc0: {  	v10 =	vld.idx.msk [tilespmem:v10+s19+$0x0], $0xffff;
	s26 =	sadd.s32 $0x10, s26;
	s29 =	simm.s32 $0xFB0;
	vm0 =	veq.f32 v7, $0.0e+00;
	v16 =	vand.u32 $0x7F, v14;
	v11 =	vsub.f32 v11, v7  }
0xc1: {  	v17 =	vld [tilespmem:s26+$0x0];
	_ =	swait.ge [sflag:s25], $0xFA0;
	v7 =	vmul.f32 v12, v13;
	v12 =	vmov s29;
	v15 =	vor.u32 v16, v15  }
0xc2: {  	[sflag:s25] =	ssyncset.done $0x0;
	v9 =	vsel vm0, v9, v60;
	v15 =	vor.u32 v3, v15;
	v11 =	vand.u32 $0x7FFFFFFF, v11  }
0xc3: {  	[sflag:s25] =	ssyncadd.s32 $0xFFFFF060;
	v6 =	vadd.f32 v7, v6;
	v7 =	vmul.f32 v9, v11;
	v11 =	vor.u32 s29, v0  }
0xc4: {  	v12 =	vand.u32 $0x1C00, v12;
	v11 =	vshrl.u32 v11, $0x3;
	v13 =	vld.idx.msk [tilespmem:v14+s18+$0x0], $0xffff  }
0xc5: {  	s26 =	simm.s32 $0x9320;
	v8 =	vcvt.s32.f32 v8;
	v5 =	vadd.f32 v9, v5;
	v9 =	vand.u32 $0x7F, v11  }
0xc6: {  	vm14 =	veq.f32 v10, $0.0e+00;
	v61 =	vsub.f32 v17, v10;
	s29 =	simm.s32 $0xFC0;
	v9 =	vor.u32 v9, v12;
	v12 =	vld [tilespmem:s26+$0x0]  }
0xc7: {  	v14 =	vld.idx.msk [tilespmem:v15+s19+$0x0], $0xffff;
	v15 =	vsub.f32 $1.000000000e+00, v8;
	v10 =	vor.u32 v3, v9;
	v9 =	vor.u32 s29, v0  }
0xc8: {  	v7 =	vadd.f32 v7, v6;
	v9 =	vshrl.u32 v9, $0x3  }
0xc9: {  	v6 =	vsel vm14, v8, v15;
	v8 =	vand.u32 $0x7FFFFFFF, v61;
	v13 =	vcvt.s32.f32 v13  }
0xca: {  	v15 =	vmul.f32 v6, v8;
	v6 =	vadd.f32 v6, v5;
	v5 =	vmov s29  }
0xcb: {  	v62 =	vand.u32 $0x7F, v9;
	v8 =	vld.idx.msk [tilespmem:v11+s18+$0x0], $0xffff;
	v11 =	vand.u32 $0x1C00, v5;
	v63 =	vsub.f32 $1.000000000e+00, v13  }
0xcc: {  	s26 =	simm.s32 $0x9330;
	v18 =	vsub.f32 v12, v14;
	v5 =	vadd.f32 v15, v7;
	v11 =	vor.u32 v62, v11;
	v7 =	vld.idx.msk [tilespmem:v10+s19+$0x0], $0xffff  }
0xcd: {  	vm15 =	veq.f32 v14, $0.0e+00;
	v10 =	vor.u32 v3, v11;
	v11 =	vld [tilespmem:s26+$0x0]  }
0xce: {  	s28 =	simm.s32 $0xFD0;
	v12 =	vsel vm15, v13, v63;
	v13 =	vand.u32 $0x7FFFFFFF, v18  }
.LBB2_8:
0xcf: {  	v14 =	vor.u32 s28, v0;
	p0 =	sne.s32 s28, $0x1F30;
	v13 =	vmul.f32 v12, v13;
	v6 =	vadd.f32 v12, v6;
	s0 =	smov.u32 s28;
	s28 =	sadd.s32 $0x10, s28  }
.Ltmp3:
0xd0: {  	v15 =	vcvt.s32.f32 v8;
	v12 =	vmov s0;
	v8 =	vld.idx.msk [tilespmem:v9+s18+$0x0], $0xffff;
	v9 =	vshrl.u32 v14, $0x3;
	(pc) =	sbr.rel @p0 .LBB2_8-.Ltmp3, $4  }
0xd1: {  	v14 =	vand.u32 $0x7F, v9;
	v12 =	vand.u32 $0x1C00, v12;
	v5 =	vadd.f32 v13, v5  }
0xd2: {  	s26 =	sadd.s32 $0x10, s26;
	v13 =	vsub.f32 $1.000000000e+00, v15;
	v16 =	vmovc v7;
	v12 =	vor.u32 v14, v12;
	v14 =	vsub.f32 v11, v7;
	v7 =	vld.idx.msk [tilespmem:v10+s19+$0x0], $0xffff  }
0xd3: {  	vm0 =	veq.f32 v16, $0.0e+00;
	v10 =	vor.u32 v3, v12;
	v11 =	vld [tilespmem:s26+$0x0]  }
0xd4: {  	v12 =	vsel vm0, v15, v13;
	v13 =	vand.u32 $0x7FFFFFFF, v14  }
0xd5: {  	_ =	sdelay $0x1  }
0xd6: {  	s0 =	sadd.s32 $0x10, s26;
	s26 =	simm.s32 $0x10  }
0xd7: {  	s29 =	simm.s32 $0x0;
	v15 =	vor.u32 s26, v0  }
0xd8: {  	v16 =	vld.idx.msk [tilespmem:v9+s18+$0x0], $0xffff;
	v9 =	vor.u32 s29, v0;
	v17 =	vshrl.u32 v15, $0x1  }
0xd9: {  	v18 =	vld.idx.msk [tilespmem:v10+s19+$0x0], $0xffff;
	v19 =	vshrl.u32 v9, $0x1  }
0xda: {  	v14 =	vld [tilespmem:s0+$0x0];
	_ =	swait.ge [sflag:s3], $0xFA0  }
0xdb: {  	[sflag:s3] =	ssyncset.done $0x0  }
0xdc: {  	v13 =	vmul.f32 v12, v13;
	v8 =	vcvt.s32.f32 v8;
	[sflag:s3] =	ssyncadd.s32 $0xFFFFF060  }
0xdd: {  	v6 =	vadd.f32 v12, v6;
	v10 =	vmov s29;
	v9 =	vshrl.u32 v9, $0x3;
	v17 =	vld.idx.msk [tilespmem:v17+s20+$0x0], $0xffff  }
0xde: {  	v20 =	vand.u32 $0xC00, v10;
	v10 =	vshrl.u32 v15, $0x3;
	v21 =	vand.u32 $0x7D, v9;
	v15 =	vld.idx.msk [tilespmem:v19+s20+$0x0], $0xffff  }
0xdf: {  	v22 =	vmov s26;
	vm0 =	veq.f32 v7, $0.0e+00;
	v19 =	vor.u32 v21, v20  }
0xe0: {  	v20 =	vand.u32 $0xC00, v22;
	v21 =	vand.u32 $0x7F, v10;
	v22 =	vsub.f32 $1.000000000e+00, v8  }
0xe1: {  	v11 =	vsub.f32 v11, v7;
	v19 =	vor.u32 v3, v19;
	v20 =	vor.u32 v21, v20  }
0xe2: {  	v7 =	vor.u32 v3, v20;
	v8 =	vsel vm0, v8, v22;
	v12 =	vshll.u32 v17, $0x1  }
0xe3: {  	v20 =	vshrl.u32 v17, $0x2;
	v17 =	vshll.u32 v17, $0x8;
	v21 =	vshll.u32 v15, $0x8  }
0xe4: {  	v22 =	vshll.u32 v15, $0x1;
	v15 =	vshrl.u32 v15, $0x2;
	v17 =	vor.u32 v4, v17  }
0xe5: {  	v21 =	vor.u32 v4, v21;
	v23 =	vand.u32 $0xFFFFFC00, v22;
	v22 =	vor.u32 v1, v22  }
0xe6: {  	v19 =	vld.idx.msk [tilespmem:v19+s15+$0x0], $0xffff;
	v15 =	vand.u32 $0x7F, v15;
	v21 =	vand.u32 $0x380, v21;
	v17 =	vand.u32 $0x380, v17  }
0xe7: {  	v21 =	vor.u32 v23, v21;
	v23 =	vand.u32 $0xFFFFFC00, v12;
	v12 =	vor.u32 v1, v12  }
0xe8: {  	v20 =	vand.u32 $0x7F, v20;
	v7 =	vld.idx.msk [tilespmem:v7+s15+$0x0], $0xffff;
	v15 =	vor.u32 v15, v21;
	v17 =	vor.u32 v23, v17  }
0xe9: {  	s29 =	simm.s32 $0x7390;
	v17 =	vor.u32 v20, v17  }
0xea: {  	v5 =	vadd.f32 v13, v5;
	v13 =	vld [tilespmem:s29+$0xFFFFFFF0];
	v16 =	vcvt.s32.f32 v16;
	v14 =	vsub.f32 v14, v18  }
0xeb: {  	v11 =	vand.u32 $0x7FFFFFFF, v11;
	vm15 =	veq.f32 v18, $0.0e+00;
	v20 =	vand.u32 $0x7FFFFFFF, v19;
	v22 =	vld.idx.msk [tilespmem:v22+s2+$0x0], $0xffff  }
0xec: {  	v14 =	vand.u32 $0x7FFFFFFF, v14;
	v23 =	vsub.f32 $1.000000000e+00, v16;
	v20 =	vadd.f32 $9.999999740e-05, v20;
	v12 =	vld.idx.msk [tilespmem:v12+s2+$0x0], $0xffff  }
0xed: {  	v11 =	vmul.f32 v8, v11;
	v6 =	vadd.f32 v8, v6;
	v24 =	vand.u32 $0x7FFFFFFF, v7;
	v15 =	vld.idx.msk [tilespmem:v15+s19+$0x0], $0xffff  }
0xee: {  	v8 =	vsel vm15, v16, v23;
	v18 =	vadd.f32 $9.999999740e-05, v24;
	(erf) = vrcp.f32 v20;
	v16 =	vld.idx.msk [tilespmem:v17+s19+$0x0], $0xffff  }
0xef: {  	s26 =	simm.s32 $0x30;
	v11 =	vadd.f32 v11, v5;
	v21 =	vld [tilespmem:s29+$0x0];
	v14 =	vmul.f32 v8, v14  }
0xf0: {  	v5 =	vadd.f32 v8, v6;
	v8 =	vor.u32 s26, v0;
	(erf) = vrcp.f32 v18  }
0xf1: {  	v6 =	vadd.f32 v14, v11;
	v14 =	vshrl.u32 v8, $0x1  }
0xf2: {  	v11 =	vsub.f32 v13, v19  }
0xf3: {  	v13 =	vsub.f32 v22, v15;
	v12 =	vsub.f32 v12, v16  }
0xf4: {  	s29 =	simm.s32 $0x20;
	v7 =	vsub.f32 v21, v7  }
0xf5: {  	v11 =	vand.u32 $0x7FFFFFFF, v11;
	v15 =	vor.u32 s29, v0;
	v16 =	vand.u32 $0x7FFFFFFF, v13  }
0xf6: {  	v21 =	vmov s29;
	v14 =	vld.idx.msk [tilespmem:v14+s20+$0x0], $0xffff;
	v18 =	vshrl.u32 v15, $0x1;
	v17 =	vadd.f32 v16, v11  }
0xf7: {  	v19 =	vand.u32 $0x7FFFFFFF, v7;
	v7 =	vshrl.u32 v8, $0x3;
	v28 =	vand.u32 $0x7FFFFFFF, v12;
	v12 =	vpop (erf)  }
0xf8: {  	v13 =	vmov s26;
	v12 =	vmul.f32 v17, v12;
	v17 =	vadd.f32 v28, v19  }
0xf9: {  	v22 =	vand.u32 $0x7F, v7;
	v8 =	vshrl.u32 v15, $0x3;
	v13 =	vand.u32 $0xC00, v13;
	v23 =	vpop (erf)  }
0xfa: {  	v13 =	vor.u32 v22, v13;
	v12 =	vmin.f32 v12, $1.000000000e+00;
	v15 =	vmul.f32 v17, v23  }
0xfb: {  	v13 =	vor.u32 v3, v13;
	v22 =	vshrl.u32 v14, $0x2;
	v18 =	vld.idx.msk [tilespmem:v18+s20+$0x0], $0xffff;
	v12 =	vmul.f32 $1.570796010e+00, v12  }
0xfc: {  	v17 =	vand.u32 $0xC00, v21;
	v21 =	vand.u32 $0x7D, v8;
	v15 =	vmin.f32 v15, $1.000000000e+00  }
0xfd: {  	v17 =	vor.u32 v21, v17;
	v21 =	vmul.f32 v12, v12;
	v26 =	vmul.f32 $1.570796010e+00, v15  }
0xfe: {  	v22 =	vand.u32 $0x7F, v22;
	v15 =	vor.u32 v3, v17;
	v17 =	vshll.u32 v14, $0x1  }
0xff: {  	v14 =	vshll.u32 v14, $0x8;
	v23 =	vmul.f32 $2.755731880e-06, v21;
	v24 =	vmul.f32 v26, v26  }
0x100: {  	v27 =	vshll.u32 v18, $0x1;
	v31 =	vshrl.u32 v18, $0x2;
	v18 =	vshll.u32 v18, $0x8  }
0x101: {  	v13 =	vld.idx.msk [tilespmem:v13+s15+$0x0], $0xffff;
	v25 =	vor.u32 v1, v17;
	v23 =	vadd.f32 $-1.984127010e-04, v23;
	v29 =	vmul.f32 $2.755731880e-06, v24  }
0x102: {  	v17 =	vand.u32 $0xFFFFFC00, v17;
	v14 =	vor.u32 v4, v14;
	v30 =	vor.u32 v1, v27  }
0x103: {  	v62 =	vld.idx.msk [tilespmem:v9+s17+$0x0], $0xffff;
	s26 =	simm.s32 $0x73B0;
	v14 =	vand.u32 $0x380, v14;
	v23 =	vmul.f32 v23, v21;
	v29 =	vadd.f32 $-1.984127010e-04, v29  }
0x104: {  	v27 =	vand.u32 $0xFFFFFC00, v27;
	v18 =	vor.u32 v4, v18;
	v14 =	vor.u32 v17, v14;
	v17 =	vld [tilespmem:s26+$0x0]  }
0x105: {  	v32 =	vld.idx.msk [tilespmem:v15+s15+$0x0], $0xffff;
	v15 =	vand.u32 $0x380, v18;
	v18 =	vadd.f32 $8.333333770e-03, v23;
	v23 =	vmul.f32 v29, v24  }
0x106: {  	v14 =	vor.u32 v22, v14;
	v34 =	vand.u32 $0x7FFFFFFF, v13;
	v15 =	vor.u32 v27, v15  }
0x107: {  	v10 =	vld.idx.msk [tilespmem:v10+s17+$0x0], $0xffff;
	v29 =	vand.u32 $0x7F, v31;
	v18 =	vmul.f32 v18, v21;
	v22 =	vadd.f32 $8.333333770e-03, v23  }
0x108: {  	v20 =	vimm.f32 $0.0e+00;
	v34 =	vadd.f32 $9.999999740e-05, v34;
	v29 =	vor.u32 v29, v15  }
0x109: {  	s29 =	simm.s32 $0x50;
	v27 =	vld [tilespmem:s26+$0xFFFFFFF0];
	v31 =	vcvt.s32.f32 v62;
	v18 =	vadd.f32 $-1.666666720e-01, v18;
	v22 =	vmul.f32 v22, v24  }
0x10a: {  	v33 =	vld.idx.msk [tilespmem:v25+s2+$0x0], $0xffff;
	v17 =	vsub.f32 v17, v13;
	v15 =	vmov s29;
	v25 =	vand.u32 $0x7FFFFFFF, v32  }
0x10b: {  	v14 =	vld.idx.msk [tilespmem:v14+s19+$0x0], $0xffff;
	v25 =	vadd.f32 $9.999999740e-05, v25;
	v18 =	vmul.f32 v18, v21;
	v22 =	vadd.f32 $-1.666666720e-01, v22  }
0x10c: {  	v30 =	vld.idx.msk [tilespmem:v30+s2+$0x0], $0xffff;
	v13 =	vcvt.s32.f32 v10;
	v23 =	vor.u32 s29, v0;
	v15 =	vand.u32 $0xC00, v15  }
0x10d: {  	(erf) = vrcp.f32 v25;
	v29 =	vld.idx.msk [tilespmem:v29+s19+$0x0], $0xffff;
	v18 =	vadd.f32 $1.000000000e+00, v18;
	v25 =	vmul.f32 v22, v24  }
0x10e: {  	v10 =	vand.u32 $0x7FFFFFFF, v17;
	v9 =	vshrl.u32 v23, $0x3;
	v23 =	vshrl.u32 v23, $0x1  }
0x10f: {  	s29 =	simm.s32 $0x40;
	(erf) = vrcp.f32 v34;
	v12 =	vmul.f32 v18, v12;
	v18 =	vadd.f32 $1.000000000e+00, v25  }
0x110: {  	v27 =	vsub.f32 v27, v32;
	v21 =	vmov s29;
	v14 =	vsub.f32 v33, v14  }
0x111: {  	v24 =	vor.u32 s29, v0;
	v63 =	vmul.f32 v31, v12;
	v18 =	vmul.f32 v18, v26  }
0x112: {  	v22 =	vand.u32 $0x7F, v9;
	v14 =	vand.u32 $0x7FFFFFFF, v14;
	v26 =	vsub.f32 v30, v29  }
0x113: {  	v25 =	vshrl.u32 v24, $0x1;
	v17 =	vmul.f32 v63, v11;
	v29 =	vmul.f32 v13, v18  }
0x114: {  	v12 =	vand.u32 $0x7FFFFFFF, v27;
	v11 =	vand.u32 $0x7FFFFFFF, v26;
	v16 =	vmul.f32 v63, v16  }
0x115: {  	v26 =	vadd.f32 v11, v12;
	v17 =	vadd.f32 v17, v20;
	v19 =	vmul.f32 v29, v19  }
0x116: {  	s28 =	simm.s32 $0x70;
	v27 =	vpop (erf);
	v18 =	vadd.f32 v16, v20;
	v16 =	vadd.f32 v31, v20;
	v20 =	vmul.f32 v29, v28  }
.LBB2_10:
0x117: {  	p0 =	sne.s32 s28, $0xF90;
	v23 =	vld.idx.msk [tilespmem:v23+s20+$0x0], $0xffff;
	v26 =	vmul.f32 v26, v27;
	v27 =	vadd.f32 v14, v10;
	v17 =	vadd.f32 v19, v17  }
0x118: {  	v19 =	vand.u32 $0xC00, v21;
	v21 =	vpop (erf);
	v18 =	vadd.f32 v20, v18;
	v16 =	vadd.f32 v13, v16  }
0x119: {  	v13 =	vshrl.u32 v24, $0x3;
	v20 =	vmovc v14;
	v24 =	vmin.f32 v26, $1.000000000e+00;
	v21 =	vmul.f32 v27, v21  }
0x11a: {  	v15 =	vor.u32 v22, v15;
	v14 =	vand.u32 $0x7D, v13;
	v25 =	vld.idx.msk [tilespmem:v25+s20+$0x0], $0xffff;
	v26 =	vmul.f32 $1.570796010e+00, v24  }
0x11b: {  	v15 =	vor.u32 v3, v15;
	v14 =	vor.u32 v14, v19;
	v19 =	vmin.f32 v21, $1.000000000e+00  }
0x11c: {  	v14 =	vor.u32 v3, v14;
	v21 =	vmul.f32 v26, v26;
	v19 =	vmul.f32 $1.570796010e+00, v19  }
0x11d: {  	v22 =	vshll.u32 v23, $0x1;
	v24 =	vshrl.u32 v23, $0x2;
	v23 =	vshll.u32 v23, $0x8  }
0x11e: {  	v27 =	vor.u32 v1, v22;
	v28 =	vmul.f32 $2.755731880e-06, v21;
	v29 =	vmul.f32 v19, v19  }
0x11f: {  	v24 =	vand.u32 $0x7F, v24;
	v22 =	vand.u32 $0xFFFFFC00, v22;
	v23 =	vor.u32 v4, v23  }
0x120: {  	v30 =	vshll.u32 v25, $0x1;
	v28 =	vadd.f32 $-1.984127010e-04, v28;
	v31 =	vmul.f32 $2.755731880e-06, v29  }
0x121: {  	v33 =	vshrl.u32 v25, $0x2;
	v25 =	vshll.u32 v25, $0x8;
	v32 =	vor.u32 v1, v30  }
0x122: {  	v34 =	vld.idx.msk [tilespmem:v15+s15+$0x0], $0xffff;
	v15 =	vand.u32 $0x380, v23;
	v23 =	vmul.f32 v28, v21;
	v28 =	vadd.f32 $-1.984127010e-04, v31  }
0x123: {  	s26 =	sadd.s32 $0x20, s26;
	v30 =	vand.u32 $0xFFFFFC00, v30;
	v25 =	vor.u32 v4, v25;
	v14 =	vld.idx.msk [tilespmem:v14+s15+$0x0], $0xffff;
	v15 =	vor.u32 v22, v15  }
0x124: {  	v22 =	vand.u32 $0x380, v25;
	v31 =	vld [tilespmem:s26+$0x0];
	v23 =	vadd.f32 $8.333333770e-03, v23;
	v25 =	vmul.f32 v28, v29  }
0x125: {  	v33 =	vand.u32 $0x7F, v33;
	v22 =	vor.u32 v30, v22;
	v24 =	vor.u32 v24, v15;
	v28 =	vld [tilespmem:s26+$0xFFFFFFF0]  }
0x126: {  	v22 =	vor.u32 v33, v22;
	v23 =	vmul.f32 v23, v21;
	v30 =	vld.idx.msk [tilespmem:v7+s17+$0x0], $0xffff;
	v25 =	vadd.f32 $8.333333770e-03, v25;
	v7 =	vmovc v9  }
0x127: {  	v33 =	vor.u32 s28, v0;
	v9 =	vmov s28;
	v35 =	vld.idx.msk [tilespmem:v8+s17+$0x0], $0xffff;
	v8 =	vmov v13  }
0x128: {  	v15 =	vand.u32 $0xC00, v9;
	v27 =	vld.idx.msk [tilespmem:v27+s2+$0x0], $0xffff;
	v13 =	vadd.f32 $-1.666666720e-01, v23;
	v23 =	vmul.f32 v25, v29  }
0x129: {  	v9 =	vshrl.u32 v33, $0x3;
	v36 =	vand.u32 $0x7FFFFFFF, v34;
	v25 =	vand.u32 $0x7FFFFFFF, v14;
	v32 =	vld.idx.msk [tilespmem:v32+s2+$0x0], $0xffff  }
0x12a: {  	s0 =	sadd.s32 $0xFFFFFFF0, s28;
	v25 =	vadd.f32 $9.999999740e-05, v25;
	v37 =	vld.idx.msk [tilespmem:v24+s19+$0x0], $0xffff;
	v13 =	vmul.f32 v13, v21;
	v24 =	vadd.f32 $-1.666666720e-01, v23  }
0x12b: {  	v36 =	vadd.f32 $9.999999740e-05, v36;
	v21 =	vmov s0;
	v23 =	vshrl.u32 v33, $0x1;
	v33 =	vld.idx.msk [tilespmem:v22+s19+$0x0], $0xffff  }
0x12c: {  	(erf) = vrcp.f32 v25;
	v13 =	vadd.f32 $1.000000000e+00, v13;
	v25 =	vmul.f32 v24, v29  }
0x12d: {  	v22 =	vand.u32 $0x7F, v9;
	v24 =	vor.u32 s0, v0;
	v29 =	vcvt.s32.f32 v35  }
0x12e: {  	(erf) = vrcp.f32 v36;
	v26 =	vmul.f32 v13, v26;
	v35 =	vadd.f32 $1.000000000e+00, v25  }
0x12f: {  	v31 =	vsub.f32 v31, v34;
	v25 =	vshrl.u32 v24, $0x1;
	v13 =	vcvt.s32.f32 v30  }
0x130: {  	v14 =	vsub.f32 v28, v14;
	v26 =	vmul.f32 v29, v26;
	v19 =	vmul.f32 v35, v19  }
.Ltmp4:
0x131: {  	v30 =	vand.u32 $0x7FFFFFFF, v31;
	v27 =	vsub.f32 v27, v37;
	v28 =	vsub.f32 v32, v33;
	(pc) =	sbr.rel @p0 .LBB2_10-.Ltmp4, $4  }
0x132: {  	v31 =	vmul.f32 v26, v12;
	v12 =	vand.u32 $0x7FFFFFFF, v14;
	v32 =	vmul.f32 v13, v19  }
0x133: {  	v14 =	vand.u32 $0x7FFFFFFF, v27;
	v33 =	vmul.f32 v26, v11;
	v11 =	vand.u32 $0x7FFFFFFF, v28  }
0x134: {  	v26 =	vadd.f32 v11, v12;
	v17 =	vadd.f32 v31, v17;
	v19 =	vmul.f32 v32, v10;
	v10 =	vmovc v30  }
0x135: {  	s28 =	sadd.s32 $0x20, s28;
	v16 =	vadd.f32 v29, v16;
	v18 =	vadd.f32 v33, v18;
	v20 =	vmul.f32 v32, v20;
	v27 =	vpop (erf)  }
0x136: {  	_ =	sdelay $0x2  }
0x137: {  	v24 =	vshrl.u32 v24, $0x3  }
0x138: {  	v23 =	vld.idx.msk [tilespmem:v23+s20+$0x0], $0xffff;
	v21 =	vand.u32 $0xC00, v21;
	v28 =	vand.u32 $0x7D, v24  }
0x139: {  	v25 =	vld.idx.msk [tilespmem:v25+s20+$0x0], $0xffff;
	v21 =	vor.u32 v28, v21  }
0x13a: {  	v21 =	vor.u32 v3, v21  }
0x13b: {  	v15 =	vor.u32 v22, v15  }
0x13c: {  	v15 =	vor.u32 v3, v15  }
0x13d: {  	v53 =	vshll.u32 v23, $0x1  }
0x13e: {  	v54 =	vshrl.u32 v23, $0x2;
	v23 =	vshll.u32 v23, $0x8;
	v29 =	vshll.u32 v25, $0x8  }
0x13f: {  	v30 =	vshll.u32 v25, $0x1;
	v25 =	vshrl.u32 v25, $0x2;
	v29 =	vor.u32 v4, v29;
	v21 =	vld.idx.msk [tilespmem:v21+s15+$0x0], $0xffff  }
0x140: {  	v23 =	vor.u32 v4, v23;
	v31 =	vand.u32 $0xFFFFFC00, v30;
	v29 =	vand.u32 $0x380, v29  }
0x141: {  	v30 =	vor.u32 v1, v30;
	v15 =	vld.idx.msk [tilespmem:v15+s15+$0x0], $0xffff;
	v25 =	vand.u32 $0x7F, v25;
	v29 =	vor.u32 v31, v29  }
0x142: {  	v55 =	vand.u32 $0xFFFFFC00, v53;
	v23 =	vand.u32 $0x380, v23;
	v25 =	vor.u32 v25, v29  }
0x143: {  	s0 =	sadd.s32 $0x20, s26;
	v22 =	vor.u32 v1, v53;
	v28 =	vand.u32 $0x7F, v54;
	v23 =	vor.u32 v55, v23  }
0x144: {  	v56 =	vld [tilespmem:s0+$0x0];
	v23 =	vor.u32 v28, v23;
	v57 =	vand.u32 $0x7FFFFFFF, v21  }
0x145: {  	v58 =	vld [tilespmem:s0+$0xFFFFFFF0];
	v28 =	vadd.f32 $9.999999740e-05, v57  }
0x146: {  	v30 =	vld.idx.msk [tilespmem:v30+s2+$0x0], $0xffff;
	v32 =	vand.u32 $0x7FFFFFFF, v15  }
0x147: {  	v32 =	vadd.f32 $9.999999740e-05, v32;
	v25 =	vld.idx.msk [tilespmem:v25+s19+$0x0], $0xffff;
	(erf) = vrcp.f32 v28  }
0x148: {  	v22 =	vld.idx.msk [tilespmem:v22+s2+$0x0], $0xffff  }
0x149: {  	v23 =	vld.idx.msk [tilespmem:v23+s19+$0x0], $0xffff;
	(erf) = vrcp.f32 v32  }
0x14a: {  	v26 =	vmul.f32 v26, v27  }
0x14b: {  	v59 =	vadd.f32 v14, v10  }
0x14c: {  	v60 =	vpop (erf);
	v26 =	vmin.f32 v26, $1.000000000e+00;
	v21 =	vsub.f32 v58, v21;
	v25 =	vsub.f32 v30, v25  }
0x14d: {  	v27 =	vmul.f32 v59, v60;
	v26 =	vmul.f32 $1.570796010e+00, v26;
	v15 =	vsub.f32 v56, v15  }
0x14e: {  	v21 =	vand.u32 $0x7FFFFFFF, v21;
	v22 =	vsub.f32 v22, v23;
	v61 =	vand.u32 $0x7FFFFFFF, v25  }
0x14f: {  	v62 =	vmin.f32 v27, $1.000000000e+00;
	v37 =	vadd.f32 v61, v21  }
0x150: {  	v63 =	vmul.f32 v26, v26;
	v15 =	vand.u32 $0x7FFFFFFF, v15;
	v22 =	vand.u32 $0x7FFFFFFF, v22;
	v38 =	vpop (erf)  }
0x151: {  	v25 =	vmul.f32 $1.570796010e+00, v62;
	v40 =	vadd.f32 v22, v15;
	v28 =	vmul.f32 v37, v38  }
0x152: {  	v39 =	vmul.f32 $2.755731880e-06, v63;
	v32 =	vpop (erf)  }
0x153: {  	v41 =	vmul.f32 v25, v25;
	v29 =	vmul.f32 v40, v32;
	v28 =	vmin.f32 v28, $1.000000000e+00  }
0x154: {  	v28 =	vmul.f32 $1.570796010e+00, v28  }
0x155: {  	v30 =	vadd.f32 $-1.984127010e-04, v39;
	v42 =	vmul.f32 $2.755731880e-06, v41;
	v29 =	vmin.f32 v29, $1.000000000e+00  }
0x156: {  	v29 =	vmul.f32 $1.570796010e+00, v29;
	v33 =	vmul.f32 v28, v28  }
0x157: {  	v30 =	vmul.f32 v30, v63;
	v32 =	vadd.f32 $-1.984127010e-04, v42  }
0x158: {  	v35 =	vmul.f32 v29, v29;
	v34 =	vmul.f32 $2.755731880e-06, v33  }
0x159: {  	v32 =	vmul.f32 v32, v41  }
0x15a: {  	v30 =	vadd.f32 $8.333333770e-03, v30;
	v36 =	vmul.f32 $2.755731880e-06, v35;
	v34 =	vadd.f32 $-1.984127010e-04, v34  }
0x15b: {  	v32 =	vadd.f32 $8.333333770e-03, v32  }
0x15c: {  	v30 =	vmul.f32 v30, v63;
	v36 =	vadd.f32 $-1.984127010e-04, v36;
	v34 =	vmul.f32 v34, v33  }
0x15d: {  	v8 =	vld.idx.msk [tilespmem:v8+s17+$0x0], $0xffff;
	v32 =	vmul.f32 v32, v41  }
0x15e: {  	v7 =	vld.idx.msk [tilespmem:v7+s17+$0x0], $0xffff;
	v30 =	vadd.f32 $-1.666666720e-01, v30;
	v44 =	vmul.f32 v36, v35;
	v43 =	vadd.f32 $8.333333770e-03, v34  }
0x15f: {  	v32 =	vadd.f32 $-1.666666720e-01, v32  }
0x160: {  	v9 =	vld.idx.msk [tilespmem:v9+s17+$0x0], $0xffff;
	v27 =	vmul.f32 v30, v63;
	v34 =	vadd.f32 $8.333333770e-03, v44;
	v30 =	vmul.f32 v43, v33  }
0x161: {  	v17 =	vadd.f32 v19, v17;
	v31 =	vmul.f32 v32, v41  }
0x162: {  	v24 =	vld.idx.msk [tilespmem:v24+s17+$0x0], $0xffff;
	v27 =	vadd.f32 $1.000000000e+00, v27;
	v46 =	vmul.f32 v34, v35;
	v45 =	vadd.f32 $-1.666666720e-01, v30  }
0x163: {  	v8 =	vcvt.s32.f32 v8;
	v7 =	vcvt.s32.f32 v7;
	v31 =	vadd.f32 $1.000000000e+00, v31  }
0x164: {  	v26 =	vmul.f32 v27, v26;
	v30 =	vadd.f32 $-1.666666720e-01, v46;
	v27 =	vmul.f32 v45, v33  }
0x165: {  	v18 =	vadd.f32 v20, v18;
	v9 =	vcvt.s32.f32 v9;
	v47 =	vmul.f32 v31, v25  }
0x166: {  	v26 =	vmul.f32 v8, v26;
	v49 =	vmul.f32 v30, v35;
	v48 =	vadd.f32 $1.000000000e+00, v27  }
0x167: {  	v13 =	vadd.f32 v13, v16;
	v50 =	vcvt.s32.f32 v24;
	v19 =	vmul.f32 v7, v47  }
0x168: {  	v12 =	vmul.f32 v26, v12;
	v52 =	vadd.f32 $1.000000000e+00, v49;
	v51 =	vmul.f32 v48, v28  }
0x169: {  	v8 =	vadd.f32 v8, v13;
	v11 =	vmul.f32 v26, v11;
	v53 =	vmul.f32 v19, v10  }
0x16a: {  	v12 =	vadd.f32 v12, v17;
	v55 =	vmul.f32 v52, v29;
	v54 =	vmul.f32 v50, v51  }
0x16b: {  	v11 =	vadd.f32 v11, v18;
	v7 =	vadd.f32 v7, v8;
	v56 =	vmul.f32 v19, v14  }
0x16c: {  	v10 =	vadd.f32 v53, v12;
	v58 =	vmul.f32 v9, v55;
	v57 =	vmul.f32 v54, v21  }
0x16d: {  	v7 =	vadd.f32 v50, v7;
	v11 =	vadd.f32 v56, v11;
	v59 =	vmul.f32 v54, v61  }
0x16e: {  	v61 =	vmul.f32 v58, v15;
	v60 =	vadd.f32 v57, v10  }
0x16f: {  	[tilespmem:$0xA330] =	vst v6;
	v7 =	vadd.f32 v9, v7;
	v62 =	vmul.f32 v58, v22;
	v11 =	vadd.f32 v59, v11  }
0x170: {  	[tilespmem:$0xA340] =	vst v5;
	v8 =	vadd.f32 v61, v60  }
0x171: {  	s24 =	sadd.s32 $0x1, s24;
	[tilespmem:$0xA320] =	vst v7;
	v63 =	vadd.f32 v62, v11  }
0x172: {  	p0 =	sne.s32 s24, s13;
	[tilespmem:$0xA300] =	vst v8  }
.Ltmp5:
0x173: {  	s29 =	simm.s32 $0xA300;
	[tilespmem:$0xA310] =	vst v63;
	(pc) =	sbr.rel @p0 .LBB2_1-.Ltmp5, $4  }
0x174: {  	[hbm4b:s12+s4] =	stream.linear.scatter [tilespmem:s29], [sflag:$0x6], $0x50, $0x38;
	[tilespmem:$0xA380] =	vst v63  }
0x175: {  	_ =	swait.ge [sflag:s23], $0x50  }
0x176: {  	[sflag:s23] =	ssyncset.done $0x0  }
0x177: {  	[sflag:s23] =	ssyncadd.s32 $0xFFFFFFB0  }
0x178: {  	_ =	sfence.sel $0x180000  }
0x179: {  	[bflag:$0x0] =	sbarrier.arrive $0xFFFF  }
0x17a: {  	_ =	strace $0x90000047  }
0x17b: {  	s0 =	stileid.u32;
	[bflag:$0x2] =	sbarrier.arrive $0xFFFF  }
0x17c: {  	p0 =	sne.s32 s0, $0x0;
	s0 =	rddreg [dreg:$0xa]  }
0x17d: {  	s0 =	sadd.s32 @!p0 $0x100000, s0  }
0x17e: {  	[sflag:s0] =	ssyncadd.tile.s32 @!p0 $0x1;
	_ =	shalt  }
.Lfunc_end2:
_tile_overlayer_lowered:
.L_overlay_start_2:
0x17f: {  	(tag) =	ssettag $0x2  }
0x180: {  	s0 =	rddreg [dreg:$0x0];
	s2 =	stileid.u32  }
0x181: {  	s1 =	rddreg [dreg:$0x1];
	p0 =	sne.s32 s2, $0x0  }
0x182: {  	s3 =	rddreg [dreg:$0x2];
	[bflag:$0x3] =	sbarrier.arrive $0xFFFF;
	s2 =	simm.s32 @!p0 $0x1C06  }
0x183: {  	[timem:s3], [sflag:s2] =	dma.local @!p0 [hbm:s0], s1  }
0x184: {  	s0 =	simm.s32 @!p0 $0x6  }
0x185: {  	_ =	swait.ge @!p0 [sflag:s0], s1  }
0x186: {  	s1 =	ssub.s32 @!p0 $0x0, s1;
	[sflag:s0] =	ssyncset.done @!p0 $0x0  }
0x187: {  	[sflag:s0] =	ssyncadd.s32 @!p0 s1  }
0x188: {  	[bflag:$0x3] =	sbarrier.arrive $0xFFFF  }
0x189: {  	_ =	shalt  }

</sc_bundles>
